<compile_context>
chip_gen: v7x
topology: tpu7x:2x2x1
jax: 0.10.2.dev20260603
libtpu: 0.0.44.dev20260713+nightly
codegen_flags: <defaults>
</compile_context>

<pallas_src>
import functools

import jax
import jax.numpy as jnp
from jax import lax
from jax.experimental import pallas as pl
from jax.experimental.pallas import tpu as pltpu
from jax.experimental.pallas import tpu_sc as plsc

N_NODES = 1000000
EMB_DIM = 64
BATCH = 16384

_NC = 2
_NS = 16
_NW = _NC * _NS
_L = 16
_BPW = BATCH // _NW
_HB = _BPW // 2


def _body(s_h, t_h, srcw, dstw, rel_h, bu_h, bv_h, out_h,
          idx_s, idx_t, u2, v2, rel_v, bs_v, bt_v, out_v,
          sem_u, sem_v, sem_bs, sem_bt):
    w = lax.axis_index("s") * _NC + lax.axis_index("c")
    basep = w * _BPW
    iota = lax.iota(jnp.int32, _L)
    mask15 = iota == (_L - 1)

    pltpu.sync_copy(s_h.at[pl.ds(basep, _BPW)], idx_s)
    pltpu.sync_copy(t_h.at[pl.ds(basep, _BPW)], idx_t)
    pltpu.sync_copy(rel_h, rel_v)
    cbs = pltpu.async_copy(bu_h.at[idx_s], bs_v, sem_bs)
    cbt = pltpu.async_copy(bv_h.at[idx_t], bt_v, sem_bt)

    r = [rel_v[pl.ds(q * _L, _L)] for q in range(4)]

    for half in range(2):
        hb = half * _HB
        cu = pltpu.async_copy(
            srcw.at[idx_s.at[pl.ds(hb, _HB)]], u2, sem_u)
        cv = pltpu.async_copy(
            dstw.at[idx_t.at[pl.ds(hb, _HB)]], v2, sem_v)
        cu.wait()
        cv.wait()

        def row(i, carry, hb=hb):
            acc = None
            for q in range(4):
                uq = u2[i, pl.ds(q * _L, _L)]
                vq = v2[i, pl.ds(q * _L, _L)]
                term = uq * r[q] * vq
                acc = term if acc is None else acc + term
            c = plsc.cumsum(acc)
            plsc.store_scatter(
                out_v, [jnp.full((_L,), hb + i, jnp.int32)], c, mask=mask15)
            return carry

        lax.fori_loop(0, _HB, row, 0)

    cbs.wait()
    cbt.wait()
    for blk in range(_BPW // _L):
        sl = pl.ds(blk * _L, _L)
        out_v[sl] = out_v[sl] + bs_v[sl] + bt_v[sl]
    pltpu.sync_copy(out_v, out_h.at[pl.ds(basep, _BPW)])


@jax.jit
def _run(pairs, src, dst, rel, bu, bv):
    s = pairs[:, 0].astype(jnp.int32)
    t = pairs[:, 1].astype(jnp.int32)
    srcw = jnp.pad(src, ((0, 0), (0, EMB_DIM)))
    dstw = jnp.pad(dst, ((0, 0), (0, EMB_DIM)))

    mesh = plsc.VectorSubcoreMesh(core_axis_name="c", subcore_axis_name="s")
    kern = functools.partial(
        pl.kernel,
        mesh=mesh,
        compiler_params=pltpu.CompilerParams(
            needs_layout_passes=False, use_tc_tiling_on_sc=True),
        out_type=jax.ShapeDtypeStruct((BATCH,), jnp.float32),
        scratch_types=[
            pltpu.VMEM((_BPW,), jnp.int32),
            pltpu.VMEM((_BPW,), jnp.int32),
            pltpu.VMEM((_HB, 2 * EMB_DIM), jnp.float32),
            pltpu.VMEM((_HB, 2 * EMB_DIM), jnp.float32),
            pltpu.VMEM((EMB_DIM,), jnp.float32),
            pltpu.VMEM((_BPW,), jnp.float32),
            pltpu.VMEM((_BPW,), jnp.float32),
            pltpu.VMEM((_BPW,), jnp.float32),
            pltpu.SemaphoreType.DMA,
            pltpu.SemaphoreType.DMA,
            pltpu.SemaphoreType.DMA,
            pltpu.SemaphoreType.DMA,
        ],
    )(_body)
    return kern(s, t, srcw, dstw, rel,
                bu.reshape(N_NODES), bv.reshape(N_NODES))


def kernel(pairs, src, dst, rel, bu, bv):
    return _run(pairs, src, dst, rel, bu, bv)

# --- scband reference (transcript-rebuilt; emitter-appended) ---
"""Pipeline reference for scband-bilinear-asym-46918222741707 (READ-ONLY COPY).

The authoritative reference and input builder live on the scoring server;
editing this copy changes nothing except your own understanding.
"""

import jax, jax.numpy as jnp
import numpy as np

N_NODES = 1000000
EMB_DIM = 64
BATCH = 16384


def setup_inputs(seed: int = 0) -> dict:
    key = jax.random.key(seed)
    k1, k2, k3, k4 = jax.random.split(key, 4)
    pairs = jax.random.randint(k1, (BATCH, 2), 0, N_NODES)
    src = jax.random.normal(k2, (N_NODES, EMB_DIM), dtype=jnp.float32) * 0.02
    dst = jax.random.normal(k3, (N_NODES, EMB_DIM), dtype=jnp.float32) * 0.02
    rel = jax.random.normal(k4, (EMB_DIM,), dtype=jnp.float32)
    bu = jnp.zeros((N_NODES, 1), dtype=jnp.float32)
    bv = jnp.zeros((N_NODES, 1), dtype=jnp.float32)
    return {"pairs": pairs, "src": src, "dst": dst, "rel": rel, "bu": bu, "bv": bv}


def reference(pairs, src, dst, rel, bu, bv):
    s = pairs[:, 0]
    t = pairs[:, 1]
    ue = jnp.take(src, s, axis=0)          # (B, d) gather
    ve = jnp.take(dst, t, axis=0)          # (B, d) gather
    core = (ue * rel * ve).sum(axis=1)     # asymmetric bilinear score
    bs = jnp.take(bu, s, axis=0)[:, 0]     # (B,) bias gather
    bt = jnp.take(bv, t, axis=0)[:, 0]     # (B,) bias gather
    return core + bs + bt

if __name__ == "__main__":
    import jax
    _d = setup_inputs()
    print(jax.jit(kernel)(*tuple(_d.values())))

</pallas_src>

<mosaic_0001>
#map = affine_map<(d0, d1) -> (0)>
#map1 = affine_map<(d0, d1) -> (0, 0)>
module attributes {stable_mosaic.version = 14 : i64} {
  func.func @_body(%arg0: i32, %arg1: i32, %arg2: memref<16384xi32, #tpu.memory_space<hbm>>, %arg3: memref<16384xi32, #tpu.memory_space<hbm>>, %arg4: memref<1000000x128xf32, #tpu.memory_space<hbm>>, %arg5: memref<1000000x128xf32, #tpu.memory_space<hbm>>, %arg6: memref<64xf32, #tpu.memory_space<hbm>>, %arg7: memref<1000000xf32, #tpu.memory_space<hbm>>, %arg8: memref<1000000xf32, #tpu.memory_space<hbm>>, %arg9: memref<16384xf32, #tpu.memory_space<hbm>>, %arg10: memref<512xi32, #tpu.memory_space<vmem>>, %arg11: memref<512xi32, #tpu.memory_space<vmem>>, %arg12: memref<256x128xf32, #tpu.memory_space<vmem>>, %arg13: memref<256x128xf32, #tpu.memory_space<vmem>>, %arg14: memref<64xf32, #tpu.memory_space<vmem>>, %arg15: memref<512xf32, #tpu.memory_space<vmem>>, %arg16: memref<512xf32, #tpu.memory_space<vmem>>, %arg17: memref<512xf32, #tpu.memory_space<vmem>>, %arg18: memref<!tpu.dma_semaphore, #tpu.memory_space<semaphore_mem>>, %arg19: memref<!tpu.dma_semaphore, #tpu.memory_space<semaphore_mem>>, %arg20: memref<!tpu.dma_semaphore, #tpu.memory_space<semaphore_mem>>, %arg21: memref<!tpu.dma_semaphore, #tpu.memory_space<semaphore_mem>>) attributes {dimension_semantics = [#tpu.dimension_semantics<core_parallel>, #tpu.dimension_semantics<subcore_parallel>], iteration_bounds = array<i64: 2, 16>, scalar_prefetch = 0 : i64, scratch_operands = 12 : i64, tpu.core_type = #tpu.core_type<sc_vector_subcore>, window_params = [{transform_indices = #map}, {transform_indices = #map}, {transform_indices = #map1}, {transform_indices = #map1}, {transform_indices = #map}, {transform_indices = #map}, {transform_indices = #map}, {transform_indices = #map}]} {
    %mul3A = arith.constant 2 : i32
    %mul3A_0 = arith.muli %arg1, %mul3A : i32
    %add3A = arith.addi %mul3A_0, %arg0 : i32
    %mul3A_1 = arith.constant 512 : i32
    %mul3A_2 = arith.muli %add3A, %mul3A_1 : i32
    %iota3A = tpu.iota {dimensions = array<i32: 0>} : vector<16xi32>
    %eq3A = arith.constant 15 : i32
    %eq3A_3 = vector.broadcast %eq3A : i32 to vector<16xi32>
    %eq3A_4 = arith.cmpi eq, %iota3A, %eq3A_3 : vector<16xi32>
    "tpu.region"() ({
      %run_scoped3A = tpu.sem_alloc : memref<!tpu.dma_semaphore, #tpu.memory_space<semaphore_mem>>
      %dma_start3A_388 = tpu.memref_slice %arg2[%mul3A_2] : memref<16384xi32, #tpu.memory_space<hbm>> -> memref<512xi32, #tpu.memory_space<hbm>>
      %dma_start3A_389 = tpu.memref_slice %arg2[%mul3A_2] : memref<16384xi32, #tpu.memory_space<hbm>> -> memref<512xi32, #tpu.memory_space<hbm>>
      tpu.enqueue_dma source(%dma_start3A_389 : memref<512xi32, #tpu.memory_space<hbm>>) target(%arg10 : memref<512xi32, #tpu.memory_space<vmem>>) target_semaphore(%run_scoped3A : memref<!tpu.dma_semaphore, #tpu.memory_space<semaphore_mem>>)
      %dma_wait3A_390 = tpu.memref_slice %arg2[%mul3A_2] : memref<16384xi32, #tpu.memory_space<hbm>> -> memref<512xi32, #tpu.memory_space<hbm>>
      %dma_wait3A_391 = tpu.memref_slice %arg2[%mul3A_2] : memref<16384xi32, #tpu.memory_space<hbm>> -> memref<512xi32, #tpu.memory_space<hbm>>
      tpu.wait_dma2 semaphore(%run_scoped3A : memref<!tpu.dma_semaphore, #tpu.memory_space<semaphore_mem>>) src(%dma_wait3A_391 : memref<512xi32, #tpu.memory_space<hbm>>) dst(%arg10 : memref<512xi32, #tpu.memory_space<vmem>>)
      tpu.yield
    }) : () -> ()
    "tpu.region"() ({
      %run_scoped3A = tpu.sem_alloc : memref<!tpu.dma_semaphore, #tpu.memory_space<semaphore_mem>>
      %dma_start3A_388 = tpu.memref_slice %arg3[%mul3A_2] : memref<16384xi32, #tpu.memory_space<hbm>> -> memref<512xi32, #tpu.memory_space<hbm>>
      %dma_start3A_389 = tpu.memref_slice %arg3[%mul3A_2] : memref<16384xi32, #tpu.memory_space<hbm>> -> memref<512xi32, #tpu.memory_space<hbm>>
      tpu.enqueue_dma source(%dma_start3A_389 : memref<512xi32, #tpu.memory_space<hbm>>) target(%arg11 : memref<512xi32, #tpu.memory_space<vmem>>) target_semaphore(%run_scoped3A : memref<!tpu.dma_semaphore, #tpu.memory_space<semaphore_mem>>)
      %dma_wait3A_390 = tpu.memref_slice %arg3[%mul3A_2] : memref<16384xi32, #tpu.memory_space<hbm>> -> memref<512xi32, #tpu.memory_space<hbm>>
      %dma_wait3A_391 = tpu.memref_slice %arg3[%mul3A_2] : memref<16384xi32, #tpu.memory_space<hbm>> -> memref<512xi32, #tpu.memory_space<hbm>>
      tpu.wait_dma2 semaphore(%run_scoped3A : memref<!tpu.dma_semaphore, #tpu.memory_space<semaphore_mem>>) src(%dma_wait3A_391 : memref<512xi32, #tpu.memory_space<hbm>>) dst(%arg11 : memref<512xi32, #tpu.memory_space<vmem>>)
      tpu.yield
    }) : () -> ()
    "tpu.region"() ({
      %run_scoped3A = tpu.sem_alloc : memref<!tpu.dma_semaphore, #tpu.memory_space<semaphore_mem>>
      tpu.enqueue_dma source(%arg6 : memref<64xf32, #tpu.memory_space<hbm>>) target(%arg14 : memref<64xf32, #tpu.memory_space<vmem>>) target_semaphore(%run_scoped3A : memref<!tpu.dma_semaphore, #tpu.memory_space<semaphore_mem>>)
      tpu.wait_dma2 semaphore(%run_scoped3A : memref<!tpu.dma_semaphore, #tpu.memory_space<semaphore_mem>>) src(%arg6 : memref<64xf32, #tpu.memory_space<hbm>>) dst(%arg14 : memref<64xf32, #tpu.memory_space<vmem>>)
      tpu.yield
    }) : () -> ()
    %dma_start3A = arith.constant 0 : i32
    %dma_start3A_5 = tpu.memref_slice %arg7[%dma_start3A] : memref<1000000xf32, #tpu.memory_space<hbm>> -> memref<1000000xf32, #tpu.memory_space<hbm>>
    tpu.enqueue_indirect_dma source(%dma_start3A_5 : memref<1000000xf32, #tpu.memory_space<hbm>>) target(%arg15 : memref<512xf32, #tpu.memory_space<vmem>>) offsets(%arg10 : memref<512xi32, #tpu.memory_space<vmem>>) semaphore(%arg20 : memref<!tpu.dma_semaphore, #tpu.memory_space<semaphore_mem>>)
    %dma_start3A_6 = arith.constant 0 : i32
    %dma_start3A_7 = tpu.memref_slice %arg8[%dma_start3A_6] : memref<1000000xf32, #tpu.memory_space<hbm>> -> memref<1000000xf32, #tpu.memory_space<hbm>>
    tpu.enqueue_indirect_dma source(%dma_start3A_7 : memref<1000000xf32, #tpu.memory_space<hbm>>) target(%arg16 : memref<512xf32, #tpu.memory_space<vmem>>) offsets(%arg11 : memref<512xi32, #tpu.memory_space<vmem>>) semaphore(%arg21 : memref<!tpu.dma_semaphore, #tpu.memory_space<semaphore_mem>>)
    %get3A = arith.constant 0 : index
    %get3A_8 = tpu.vector_load %arg14[%get3A] {strides = array<i32>} : memref<64xf32, #tpu.memory_space<vmem>>, vector<16xf32>,
    %get3A_9 = arith.constant 16 : index
    %get3A_10 = tpu.vector_load %arg14[%get3A_9] {strides = array<i32>} : memref<64xf32, #tpu.memory_space<vmem>>, vector<16xf32>,
    %get3A_11 = arith.constant 32 : index
    %get3A_12 = tpu.vector_load %arg14[%get3A_11] {strides = array<i32>} : memref<64xf32, #tpu.memory_space<vmem>>, vector<16xf32>,
    %get3A_13 = arith.constant 48 : index
    %get3A_14 = tpu.vector_load %arg14[%get3A_13] {strides = array<i32>} : memref<64xf32, #tpu.memory_space<vmem>>, vector<16xf32>,
    %dma_start3A_15 = arith.constant 0 : i32
    %dma_start3A_16 = tpu.memref_slice %arg10[%dma_start3A_15] : memref<512xi32, #tpu.memory_space<vmem>> -> memref<256xi32, #tpu.memory_space<vmem>>
    %dma_start3A_17 = arith.constant 0 : i32
    %dma_start3A_18 = arith.constant 0 : i32
    %dma_start3A_19 = tpu.memref_slice %arg4[%dma_start3A_17, %dma_start3A_18] : memref<1000000x128xf32, #tpu.memory_space<hbm>> -> memref<1000000x128xf32, #tpu.memory_space<hbm>>
    tpu.enqueue_indirect_dma source(%dma_start3A_19 : memref<1000000x128xf32, #tpu.memory_space<hbm>>) target(%arg12 : memref<256x128xf32, #tpu.memory_space<vmem>>) offsets(%dma_start3A_16 : memref<256xi32, #tpu.memory_space<vmem>>) semaphore(%arg18 : memref<!tpu.dma_semaphore, #tpu.memory_space<semaphore_mem>>)
    %dma_start3A_20 = arith.constant 0 : i32
    %dma_start3A_21 = tpu.memref_slice %arg11[%dma_start3A_20] : memref<512xi32, #tpu.memory_space<vmem>> -> memref<256xi32, #tpu.memory_space<vmem>>
    %dma_start3A_22 = arith.constant 0 : i32
    %dma_start3A_23 = arith.constant 0 : i32
    %dma_start3A_24 = tpu.memref_slice %arg5[%dma_start3A_22, %dma_start3A_23] : memref<1000000x128xf32, #tpu.memory_space<hbm>> -> memref<1000000x128xf32, #tpu.memory_space<hbm>>
    tpu.enqueue_indirect_dma source(%dma_start3A_24 : memref<1000000x128xf32, #tpu.memory_space<hbm>>) target(%arg13 : memref<256x128xf32, #tpu.memory_space<vmem>>) offsets(%dma_start3A_21 : memref<256xi32, #tpu.memory_space<vmem>>) semaphore(%arg19 : memref<!tpu.dma_semaphore, #tpu.memory_space<semaphore_mem>>)
    %dma_wait3A = arith.constant 0 : i32
    %dma_wait3A_25 = tpu.memref_slice %arg10[%dma_wait3A] : memref<512xi32, #tpu.memory_space<vmem>> -> memref<256xi32, #tpu.memory_space<vmem>>
    %dma_wait3A_26 = arith.constant 0 : i32
    %dma_wait3A_27 = arith.constant 0 : i32
    %dma_wait3A_28 = tpu.memref_slice %arg4[%dma_wait3A_26, %dma_wait3A_27] : memref<1000000x128xf32, #tpu.memory_space<hbm>> -> memref<1000000x128xf32, #tpu.memory_space<hbm>>
    tpu.wait_indirect_dma semaphore(%arg18 : memref<!tpu.dma_semaphore, #tpu.memory_space<semaphore_mem>>) src(%dma_wait3A_28 : memref<1000000x128xf32, #tpu.memory_space<hbm>>) dst(%arg12 : memref<256x128xf32, #tpu.memory_space<vmem>>)
    %dma_wait3A_29 = arith.constant 0 : i32
    %dma_wait3A_30 = tpu.memref_slice %arg11[%dma_wait3A_29] : memref<512xi32, #tpu.memory_space<vmem>> -> memref<256xi32, #tpu.memory_space<vmem>>
    %dma_wait3A_31 = arith.constant 0 : i32
    %dma_wait3A_32 = arith.constant 0 : i32
    %dma_wait3A_33 = tpu.memref_slice %arg5[%dma_wait3A_31, %dma_wait3A_32] : memref<1000000x128xf32, #tpu.memory_space<hbm>> -> memref<1000000x128xf32, #tpu.memory_space<hbm>>
    tpu.wait_indirect_dma semaphore(%arg19 : memref<!tpu.dma_semaphore, #tpu.memory_space<semaphore_mem>>) src(%dma_wait3A_33 : memref<1000000x128xf32, #tpu.memory_space<hbm>>) dst(%arg13 : memref<256x128xf32, #tpu.memory_space<vmem>>)
    %scan3A = arith.constant 0 : i32
    %scan3A_34 = arith.constant 0 : i32
    %scan3A_35 = arith.constant 256 : i32
    %scan3A_36 = arith.addi %scan3A_34, %scan3A_35 : i32
    %scan3A_37 = arith.constant 1 : i32
    scf.for %scan3A_388 = %scan3A_34 to %scan3A_36 step %scan3A_37  : i32 {
      %get3A_389 = arith.index_cast %scan3A_388 : i32 to index
      %get3A_390 = arith.constant 0 : index
      %get3A_391 = tpu.vector_load %arg12[%get3A_389, %get3A_390] {strides = array<i32>} : memref<256x128xf32, #tpu.memory_space<vmem>>, vector<16xf32>,
      %get3A_392 = arith.index_cast %scan3A_388 : i32 to index
      %get3A_393 = arith.constant 0 : index
      %get3A_394 = tpu.vector_load %arg13[%get3A_392, %get3A_393] {strides = array<i32>} : memref<256x128xf32, #tpu.memory_space<vmem>>, vector<16xf32>,
      %mul3A_395 = arith.mulf %get3A_391, %get3A_8 : vector<16xf32>
      %mul3A_396 = arith.mulf %mul3A_395, %get3A_394 : vector<16xf32>
      %get3A_397 = arith.index_cast %scan3A_388 : i32 to index
      %get3A_398 = arith.constant 16 : index
      %get3A_399 = tpu.vector_load %arg12[%get3A_397, %get3A_398] {strides = array<i32>} : memref<256x128xf32, #tpu.memory_space<vmem>>, vector<16xf32>,
      %get3A_400 = arith.index_cast %scan3A_388 : i32 to index
      %get3A_401 = arith.constant 16 : index
      %get3A_402 = tpu.vector_load %arg13[%get3A_400, %get3A_401] {strides = array<i32>} : memref<256x128xf32, #tpu.memory_space<vmem>>, vector<16xf32>,
      %mul3A_403 = arith.mulf %get3A_399, %get3A_10 : vector<16xf32>
      %mul3A_404 = arith.mulf %mul3A_403, %get3A_402 : vector<16xf32>
      %add3A_405 = arith.addf %mul3A_396, %mul3A_404 : vector<16xf32>
      %get3A_406 = arith.index_cast %scan3A_388 : i32 to index
      %get3A_407 = arith.constant 32 : index
      %get3A_408 = tpu.vector_load %arg12[%get3A_406, %get3A_407] {strides = array<i32>} : memref<256x128xf32, #tpu.memory_space<vmem>>, vector<16xf32>,
      %get3A_409 = arith.index_cast %scan3A_388 : i32 to index
      %get3A_410 = arith.constant 32 : index
      %get3A_411 = tpu.vector_load %arg13[%get3A_409, %get3A_410] {strides = array<i32>} : memref<256x128xf32, #tpu.memory_space<vmem>>, vector<16xf32>,
      %mul3A_412 = arith.mulf %get3A_408, %get3A_12 : vector<16xf32>
      %mul3A_413 = arith.mulf %mul3A_412, %get3A_411 : vector<16xf32>
      %add3A_414 = arith.addf %add3A_405, %mul3A_413 : vector<16xf32>
      %get3A_415 = arith.index_cast %scan3A_388 : i32 to index
      %get3A_416 = arith.constant 48 : index
      %get3A_417 = tpu.vector_load %arg12[%get3A_415, %get3A_416] {strides = array<i32>} : memref<256x128xf32, #tpu.memory_space<vmem>>, vector<16xf32>,
      %get3A_418 = arith.index_cast %scan3A_388 : i32 to index
      %get3A_419 = arith.constant 48 : index
      %get3A_420 = tpu.vector_load %arg13[%get3A_418, %get3A_419] {strides = array<i32>} : memref<256x128xf32, #tpu.memory_space<vmem>>, vector<16xf32>,
      %mul3A_421 = arith.mulf %get3A_417, %get3A_14 : vector<16xf32>
      %mul3A_422 = arith.mulf %mul3A_421, %get3A_420 : vector<16xf32>
      %add3A_423 = arith.addf %add3A_414, %mul3A_422 : vector<16xf32>
      %broadcast_in_dim3A = arith.constant true
      %broadcast_in_dim3A_424 = vector.broadcast %broadcast_in_dim3A : i1 to vector<16xi1>
      %masked_cumsum3A = tpu.scan <sum>, %add3A_423 masked %broadcast_in_dim3A_424 : vector<16xf32>, vector<16xi1> -> vector<16xf32>
      %add3A_425 = arith.constant 0 : i32
      %add3A_426 = arith.addi %add3A_425, %scan3A_388 : i32
      %broadcast_in_dim3A_427 = vector.broadcast %add3A_426 : i32 to vector<16xi32>
      tpu.vector_store_idx %arg17[%broadcast_in_dim3A_427], %masked_cumsum3A masked %eq3A_4 : memref<512xf32, #tpu.memory_space<vmem>>[vector<16xi32>], vector<16xf32>, vector<16xi1>
    }
    %scan3A_38 = arith.constant 256 : i32
    %dma_start3A_39 = arith.constant 256 : i32
    %dma_start3A_40 = tpu.memref_slice %arg10[%dma_start3A_39] : memref<512xi32, #tpu.memory_space<vmem>> -> memref<256xi32, #tpu.memory_space<vmem>>
    %dma_start3A_41 = arith.constant 0 : i32
    %dma_start3A_42 = arith.constant 0 : i32
    %dma_start3A_43 = tpu.memref_slice %arg4[%dma_start3A_41, %dma_start3A_42] : memref<1000000x128xf32, #tpu.memory_space<hbm>> -> memref<1000000x128xf32, #tpu.memory_space<hbm>>
    tpu.enqueue_indirect_dma source(%dma_start3A_43 : memref<1000000x128xf32, #tpu.memory_space<hbm>>) target(%arg12 : memref<256x128xf32, #tpu.memory_space<vmem>>) offsets(%dma_start3A_40 : memref<256xi32, #tpu.memory_space<vmem>>) semaphore(%arg18 : memref<!tpu.dma_semaphore, #tpu.memory_space<semaphore_mem>>)
    %dma_start3A_44 = arith.constant 256 : i32
    %dma_start3A_45 = tpu.memref_slice %arg11[%dma_start3A_44] : memref<512xi32, #tpu.memory_space<vmem>> -> memref<256xi32, #tpu.memory_space<vmem>>
    %dma_start3A_46 = arith.constant 0 : i32
    %dma_start3A_47 = arith.constant 0 : i32
    %dma_start3A_48 = tpu.memref_slice %arg5[%dma_start3A_46, %dma_start3A_47] : memref<1000000x128xf32, #tpu.memory_space<hbm>> -> memref<1000000x128xf32, #tpu.memory_space<hbm>>
    tpu.enqueue_indirect_dma source(%dma_start3A_48 : memref<1000000x128xf32, #tpu.memory_space<hbm>>) target(%arg13 : memref<256x128xf32, #tpu.memory_space<vmem>>) offsets(%dma_start3A_45 : memref<256xi32, #tpu.memory_space<vmem>>) semaphore(%arg19 : memref<!tpu.dma_semaphore, #tpu.memory_space<semaphore_mem>>)
    %dma_wait3A_49 = arith.constant 256 : i32
    %dma_wait3A_50 = tpu.memref_slice %arg10[%dma_wait3A_49] : memref<512xi32, #tpu.memory_space<vmem>> -> memref<256xi32, #tpu.memory_space<vmem>>
    %dma_wait3A_51 = arith.constant 0 : i32
    %dma_wait3A_52 = arith.constant 0 : i32
    %dma_wait3A_53 = tpu.memref_slice %arg4[%dma_wait3A_51, %dma_wait3A_52] : memref<1000000x128xf32, #tpu.memory_space<hbm>> -> memref<1000000x128xf32, #tpu.memory_space<hbm>>
    tpu.wait_indirect_dma semaphore(%arg18 : memref<!tpu.dma_semaphore, #tpu.memory_space<semaphore_mem>>) src(%dma_wait3A_53 : memref<1000000x128xf32, #tpu.memory_space<hbm>>) dst(%arg12 : memref<256x128xf32, #tpu.memory_space<vmem>>)
    %dma_wait3A_54 = arith.constant 256 : i32
    %dma_wait3A_55 = tpu.memref_slice %arg11[%dma_wait3A_54] : memref<512xi32, #tpu.memory_space<vmem>> -> memref<256xi32, #tpu.memory_space<vmem>>
    %dma_wait3A_56 = arith.constant 0 : i32
    %dma_wait3A_57 = arith.constant 0 : i32
    %dma_wait3A_58 = tpu.memref_slice %arg5[%dma_wait3A_56, %dma_wait3A_57] : memref<1000000x128xf32, #tpu.memory_space<hbm>> -> memref<1000000x128xf32, #tpu.memory_space<hbm>>
    tpu.wait_indirect_dma semaphore(%arg19 : memref<!tpu.dma_semaphore, #tpu.memory_space<semaphore_mem>>) src(%dma_wait3A_58 : memref<1000000x128xf32, #tpu.memory_space<hbm>>) dst(%arg13 : memref<256x128xf32, #tpu.memory_space<vmem>>)
    %scan3A_59 = arith.constant 0 : i32
    %scan3A_60 = arith.constant 0 : i32
    %scan3A_61 = arith.constant 256 : i32
    %scan3A_62 = arith.addi %scan3A_60, %scan3A_61 : i32
    %scan3A_63 = arith.constant 1 : i32
    scf.for %scan3A_388 = %scan3A_60 to %scan3A_62 step %scan3A_63  : i32 {
      %get3A_389 = arith.index_cast %scan3A_388 : i32 to index
      %get3A_390 = arith.constant 0 : index
      %get3A_391 = tpu.vector_load %arg12[%get3A_389, %get3A_390] {strides = array<i32>} : memref<256x128xf32, #tpu.memory_space<vmem>>, vector<16xf32>,
      %get3A_392 = arith.index_cast %scan3A_388 : i32 to index
      %get3A_393 = arith.constant 0 : index
      %get3A_394 = tpu.vector_load %arg13[%get3A_392, %get3A_393] {strides = array<i32>} : memref<256x128xf32, #tpu.memory_space<vmem>>, vector<16xf32>,
      %mul3A_395 = arith.mulf %get3A_391, %get3A_8 : vector<16xf32>
      %mul3A_396 = arith.mulf %mul3A_395, %get3A_394 : vector<16xf32>
      %get3A_397 = arith.index_cast %scan3A_388 : i32 to index
      %get3A_398 = arith.constant 16 : index
      %get3A_399 = tpu.vector_load %arg12[%get3A_397, %get3A_398] {strides = array<i32>} : memref<256x128xf32, #tpu.memory_space<vmem>>, vector<16xf32>,
      %get3A_400 = arith.index_cast %scan3A_388 : i32 to index
      %get3A_401 = arith.constant 16 : index
      %get3A_402 = tpu.vector_load %arg13[%get3A_400, %get3A_401] {strides = array<i32>} : memref<256x128xf32, #tpu.memory_space<vmem>>, vector<16xf32>,
      %mul3A_403 = arith.mulf %get3A_399, %get3A_10 : vector<16xf32>
      %mul3A_404 = arith.mulf %mul3A_403, %get3A_402 : vector<16xf32>
      %add3A_405 = arith.addf %mul3A_396, %mul3A_404 : vector<16xf32>
      %get3A_406 = arith.index_cast %scan3A_388 : i32 to index
      %get3A_407 = arith.constant 32 : index
      %get3A_408 = tpu.vector_load %arg12[%get3A_406, %get3A_407] {strides = array<i32>} : memref<256x128xf32, #tpu.memory_space<vmem>>, vector<16xf32>,
      %get3A_409 = arith.index_cast %scan3A_388 : i32 to index
      %get3A_410 = arith.constant 32 : index
      %get3A_411 = tpu.vector_load %arg13[%get3A_409, %get3A_410] {strides = array<i32>} : memref<256x128xf32, #tpu.memory_space<vmem>>, vector<16xf32>,
      %mul3A_412 = arith.mulf %get3A_408, %get3A_12 : vector<16xf32>
      %mul3A_413 = arith.mulf %mul3A_412, %get3A_411 : vector<16xf32>
      %add3A_414 = arith.addf %add3A_405, %mul3A_413 : vector<16xf32>
      %get3A_415 = arith.index_cast %scan3A_388 : i32 to index
      %get3A_416 = arith.constant 48 : index
      %get3A_417 = tpu.vector_load %arg12[%get3A_415, %get3A_416] {strides = array<i32>} : memref<256x128xf32, #tpu.memory_space<vmem>>, vector<16xf32>,
      %get3A_418 = arith.index_cast %scan3A_388 : i32 to index
      %get3A_419 = arith.constant 48 : index
      %get3A_420 = tpu.vector_load %arg13[%get3A_418, %get3A_419] {strides = array<i32>} : memref<256x128xf32, #tpu.memory_space<vmem>>, vector<16xf32>,
      %mul3A_421 = arith.mulf %get3A_417, %get3A_14 : vector<16xf32>
      %mul3A_422 = arith.mulf %mul3A_421, %get3A_420 : vector<16xf32>
      %add3A_423 = arith.addf %add3A_414, %mul3A_422 : vector<16xf32>
      %broadcast_in_dim3A = arith.constant true
      %broadcast_in_dim3A_424 = vector.broadcast %broadcast_in_dim3A : i1 to vector<16xi1>
      %masked_cumsum3A = tpu.scan <sum>, %add3A_423 masked %broadcast_in_dim3A_424 : vector<16xf32>, vector<16xi1> -> vector<16xf32>
      %add3A_425 = arith.constant 256 : i32
      %add3A_426 = arith.addi %add3A_425, %scan3A_388 : i32
      %broadcast_in_dim3A_427 = vector.broadcast %add3A_426 : i32 to vector<16xi32>
      tpu.vector_store_idx %arg17[%broadcast_in_dim3A_427], %masked_cumsum3A masked %eq3A_4 : memref<512xf32, #tpu.memory_space<vmem>>[vector<16xi32>], vector<16xf32>, vector<16xi1>
    }
    %scan3A_64 = arith.constant 256 : i32
    %dma_wait3A_65 = arith.constant 0 : i32
    %dma_wait3A_66 = tpu.memref_slice %arg7[%dma_wait3A_65] : memref<1000000xf32, #tpu.memory_space<hbm>> -> memref<1000000xf32, #tpu.memory_space<hbm>>
    tpu.wait_indirect_dma semaphore(%arg20 : memref<!tpu.dma_semaphore, #tpu.memory_space<semaphore_mem>>) src(%dma_wait3A_66 : memref<1000000xf32, #tpu.memory_space<hbm>>) dst(%arg15 : memref<512xf32, #tpu.memory_space<vmem>>)
    %dma_wait3A_67 = arith.constant 0 : i32
    %dma_wait3A_68 = tpu.memref_slice %arg8[%dma_wait3A_67] : memref<1000000xf32, #tpu.memory_space<hbm>> -> memref<1000000xf32, #tpu.memory_space<hbm>>
    tpu.wait_indirect_dma semaphore(%arg21 : memref<!tpu.dma_semaphore, #tpu.memory_space<semaphore_mem>>) src(%dma_wait3A_68 : memref<1000000xf32, #tpu.memory_space<hbm>>) dst(%arg16 : memref<512xf32, #tpu.memory_space<vmem>>)
    %get3A_69 = arith.constant 0 : index
    %get3A_70 = tpu.vector_load %arg17[%get3A_69] {strides = array<i32>} : memref<512xf32, #tpu.memory_space<vmem>>, vector<16xf32>,
    %get3A_71 = arith.constant 0 : index
    %get3A_72 = tpu.vector_load %arg15[%get3A_71] {strides = array<i32>} : memref<512xf32, #tpu.memory_space<vmem>>, vector<16xf32>,
    %add3A_73 = arith.addf %get3A_70, %get3A_72 : vector<16xf32>
    %get3A_74 = arith.constant 0 : index
    %get3A_75 = tpu.vector_load %arg16[%get3A_74] {strides = array<i32>} : memref<512xf32, #tpu.memory_space<vmem>>, vector<16xf32>,
    %add3A_76 = arith.addf %add3A_73, %get3A_75 : vector<16xf32>
    %swap3A = arith.constant 0 : index
    %swap3A_77 = tpu.vector_load %arg17[%swap3A] {strides = array<i32>} : memref<512xf32, #tpu.memory_space<vmem>>, vector<16xf32>,
    tpu.vector_store %arg17[%swap3A], %add3A_76 {strides = array<i32>} : memref<512xf32, #tpu.memory_space<vmem>>, vector<16xf32>,
    %get3A_78 = arith.constant 16 : index
    %get3A_79 = tpu.vector_load %arg17[%get3A_78] {strides = array<i32>} : memref<512xf32, #tpu.memory_space<vmem>>, vector<16xf32>,
    %get3A_80 = arith.constant 16 : index
    %get3A_81 = tpu.vector_load %arg15[%get3A_80] {strides = array<i32>} : memref<512xf32, #tpu.memory_space<vmem>>, vector<16xf32>,
    %add3A_82 = arith.addf %get3A_79, %get3A_81 : vector<16xf32>
    %get3A_83 = arith.constant 16 : index
    %get3A_84 = tpu.vector_load %arg16[%get3A_83] {strides = array<i32>} : memref<512xf32, #tpu.memory_space<vmem>>, vector<16xf32>,
    %add3A_85 = arith.addf %add3A_82, %get3A_84 : vector<16xf32>
    %swap3A_86 = arith.constant 16 : index
    %swap3A_87 = tpu.vector_load %arg17[%swap3A_86] {strides = array<i32>} : memref<512xf32, #tpu.memory_space<vmem>>, vector<16xf32>,
    tpu.vector_store %arg17[%swap3A_86], %add3A_85 {strides = array<i32>} : memref<512xf32, #tpu.memory_space<vmem>>, vector<16xf32>,
    %get3A_88 = arith.constant 32 : index
    %get3A_89 = tpu.vector_load %arg17[%get3A_88] {strides = array<i32>} : memref<512xf32, #tpu.memory_space<vmem>>, vector<16xf32>,
    %get3A_90 = arith.constant 32 : index
    %get3A_91 = tpu.vector_load %arg15[%get3A_90] {strides = array<i32>} : memref<512xf32, #tpu.memory_space<vmem>>, vector<16xf32>,
    %add3A_92 = arith.addf %get3A_89, %get3A_91 : vector<16xf32>
    %get3A_93 = arith.constant 32 : index
    %get3A_94 = tpu.vector_load %arg16[%get3A_93] {strides = array<i32>} : memref<512xf32, #tpu.memory_space<vmem>>, vector<16xf32>,
    %add3A_95 = arith.addf %add3A_92, %get3A_94 : vector<16xf32>
    %swap3A_96 = arith.constant 32 : index
    %swap3A_97 = tpu.vector_load %arg17[%swap3A_96] {strides = array<i32>} : memref<512xf32, #tpu.memory_space<vmem>>, vector<16xf32>,
    tpu.vector_store %arg17[%swap3A_96], %add3A_95 {strides = array<i32>} : memref<512xf32, #tpu.memory_space<vmem>>, vector<16xf32>,
    %get3A_98 = arith.constant 48 : index
    %get3A_99 = tpu.vector_load %arg17[%get3A_98] {strides = array<i32>} : memref<512xf32, #tpu.memory_space<vmem>>, vector<16xf32>,
    %get3A_100 = arith.constant 48 : index
    %get3A_101 = tpu.vector_load %arg15[%get3A_100] {strides = array<i32>} : memref<512xf32, #tpu.memory_space<vmem>>, vector<16xf32>,
    %add3A_102 = arith.addf %get3A_99, %get3A_101 : vector<16xf32>
    %get3A_103 = arith.constant 48 : index
    %get3A_104 = tpu.vector_load %arg16[%get3A_103] {strides = array<i32>} : memref<512xf32, #tpu.memory_space<vmem>>, vector<16xf32>,
    %add3A_105 = arith.addf %add3A_102, %get3A_104 : vector<16xf32>
    %swap3A_106 = arith.constant 48 : index
    %swap3A_107 = tpu.vector_load %arg17[%swap3A_106] {strides = array<i32>} : memref<512xf32, #tpu.memory_space<vmem>>, vector<16xf32>,
    tpu.vector_store %arg17[%swap3A_106], %add3A_105 {strides = array<i32>} : memref<512xf32, #tpu.memory_space<vmem>>, vector<16xf32>,
    %get3A_108 = arith.constant 64 : index
    %get3A_109 = tpu.vector_load %arg17[%get3A_108] {strides = array<i32>} : memref<512xf32, #tpu.memory_space<vmem>>, vector<16xf32>,
    %get3A_110 = arith.constant 64 : index
    %get3A_111 = tpu.vector_load %arg15[%get3A_110] {strides = array<i32>} : memref<512xf32, #tpu.memory_space<vmem>>, vector<16xf32>,
    %add3A_112 = arith.addf %get3A_109, %get3A_111 : vector<16xf32>
    %get3A_113 = arith.constant 64 : index
    %get3A_114 = tpu.vector_load %arg16[%get3A_113] {strides = array<i32>} : memref<512xf32, #tpu.memory_space<vmem>>, vector<16xf32>,
    %add3A_115 = arith.addf %add3A_112, %get3A_114 : vector<16xf32>
    %swap3A_116 = arith.constant 64 : index
    %swap3A_117 = tpu.vector_load %arg17[%swap3A_116] {strides = array<i32>} : memref<512xf32, #tpu.memory_space<vmem>>, vector<16xf32>,
    tpu.vector_store %arg17[%swap3A_116], %add3A_115 {strides = array<i32>} : memref<512xf32, #tpu.memory_space<vmem>>, vector<16xf32>,
    %get3A_118 = arith.constant 80 : index
    %get3A_119 = tpu.vector_load %arg17[%get3A_118] {strides = array<i32>} : memref<512xf32, #tpu.memory_space<vmem>>, vector<16xf32>,
    %get3A_120 = arith.constant 80 : index
    %get3A_121 = tpu.vector_load %arg15[%get3A_120] {strides = array<i32>} : memref<512xf32, #tpu.memory_space<vmem>>, vector<16xf32>,
    %add3A_122 = arith.addf %get3A_119, %get3A_121 : vector<16xf32>
    %get3A_123 = arith.constant 80 : index
    %get3A_124 = tpu.vector_load %arg16[%get3A_123] {strides = array<i32>} : memref<512xf32, #tpu.memory_space<vmem>>, vector<16xf32>,
    %add3A_125 = arith.addf %add3A_122, %get3A_124 : vector<16xf32>
    %swap3A_126 = arith.constant 80 : index
    %swap3A_127 = tpu.vector_load %arg17[%swap3A_126] {strides = array<i32>} : memref<512xf32, #tpu.memory_space<vmem>>, vector<16xf32>,
    tpu.vector_store %arg17[%swap3A_126], %add3A_125 {strides = array<i32>} : memref<512xf32, #tpu.memory_space<vmem>>, vector<16xf32>,
    %get3A_128 = arith.constant 96 : index
    %get3A_129 = tpu.vector_load %arg17[%get3A_128] {strides = array<i32>} : memref<512xf32, #tpu.memory_space<vmem>>, vector<16xf32>,
    %get3A_130 = arith.constant 96 : index
    %get3A_131 = tpu.vector_load %arg15[%get3A_130] {strides = array<i32>} : memref<512xf32, #tpu.memory_space<vmem>>, vector<16xf32>,
    %add3A_132 = arith.addf %get3A_129, %get3A_131 : vector<16xf32>
    %get3A_133 = arith.constant 96 : index
    %get3A_134 = tpu.vector_load %arg16[%get3A_133] {strides = array<i32>} : memref<512xf32, #tpu.memory_space<vmem>>, vector<16xf32>,
    %add3A_135 = arith.addf %add3A_132, %get3A_134 : vector<16xf32>
    %swap3A_136 = arith.constant 96 : index
    %swap3A_137 = tpu.vector_load %arg17[%swap3A_136] {strides = array<i32>} : memref<512xf32, #tpu.memory_space<vmem>>, vector<16xf32>,
    tpu.vector_store %arg17[%swap3A_136], %add3A_135 {strides = array<i32>} : memref<512xf32, #tpu.memory_space<vmem>>, vector<16xf32>,
    %get3A_138 = arith.constant 112 : index
    %get3A_139 = tpu.vector_load %arg17[%get3A_138] {strides = array<i32>} : memref<512xf32, #tpu.memory_space<vmem>>, vector<16xf32>,
    %get3A_140 = arith.constant 112 : index
    %get3A_141 = tpu.vector_load %arg15[%get3A_140] {strides = array<i32>} : memref<512xf32, #tpu.memory_space<vmem>>, vector<16xf32>,
    %add3A_142 = arith.addf %get3A_139, %get3A_141 : vector<16xf32>
    %get3A_143 = arith.constant 112 : index
    %get3A_144 = tpu.vector_load %arg16[%get3A_143] {strides = array<i32>} : memref<512xf32, #tpu.memory_space<vmem>>, vector<16xf32>,
    %add3A_145 = arith.addf %add3A_142, %get3A_144 : vector<16xf32>
    %swap3A_146 = arith.constant 112 : index
    %swap3A_147 = tpu.vector_load %arg17[%swap3A_146] {strides = array<i32>} : memref<512xf32, #tpu.memory_space<vmem>>, vector<16xf32>,
    tpu.vector_store %arg17[%swap3A_146], %add3A_145 {strides = array<i32>} : memref<512xf32, #tpu.memory_space<vmem>>, vector<16xf32>,
    %get3A_148 = arith.constant 128 : index
    %get3A_149 = tpu.vector_load %arg17[%get3A_148] {strides = array<i32>} : memref<512xf32, #tpu.memory_space<vmem>>, vector<16xf32>,
    %get3A_150 = arith.constant 128 : index
    %get3A_151 = tpu.vector_load %arg15[%get3A_150] {strides = array<i32>} : memref<512xf32, #tpu.memory_space<vmem>>, vector<16xf32>,
    %add3A_152 = arith.addf %get3A_149, %get3A_151 : vector<16xf32>
    %get3A_153 = arith.constant 128 : index
    %get3A_154 = tpu.vector_load %arg16[%get3A_153] {strides = array<i32>} : memref<512xf32, #tpu.memory_space<vmem>>, vector<16xf32>,
    %add3A_155 = arith.addf %add3A_152, %get3A_154 : vector<16xf32>
    %swap3A_156 = arith.constant 128 : index
    %swap3A_157 = tpu.vector_load %arg17[%swap3A_156] {strides = array<i32>} : memref<512xf32, #tpu.memory_space<vmem>>, vector<16xf32>,
    tpu.vector_store %arg17[%swap3A_156], %add3A_155 {strides = array<i32>} : memref<512xf32, #tpu.memory_space<vmem>>, vector<16xf32>,
    %get3A_158 = arith.constant 144 : index
    %get3A_159 = tpu.vector_load %arg17[%get3A_158] {strides = array<i32>} : memref<512xf32, #tpu.memory_space<vmem>>, vector<16xf32>,
    %get3A_160 = arith.constant 144 : index
    %get3A_161 = tpu.vector_load %arg15[%get3A_160] {strides = array<i32>} : memref<512xf32, #tpu.memory_space<vmem>>, vector<16xf32>,
    %add3A_162 = arith.addf %get3A_159, %get3A_161 : vector<16xf32>
    %get3A_163 = arith.constant 144 : index
    %get3A_164 = tpu.vector_load %arg16[%get3A_163] {strides = array<i32>} : memref<512xf32, #tpu.memory_space<vmem>>, vector<16xf32>,
    %add3A_165 = arith.addf %add3A_162, %get3A_164 : vector<16xf32>
    %swap3A_166 = arith.constant 144 : index
    %swap3A_167 = tpu.vector_load %arg17[%swap3A_166] {strides = array<i32>} : memref<512xf32, #tpu.memory_space<vmem>>, vector<16xf32>,
    tpu.vector_store %arg17[%swap3A_166], %add3A_165 {strides = array<i32>} : memref<512xf32, #tpu.memory_space<vmem>>, vector<16xf32>,
    %get3A_168 = arith.constant 160 : index
    %get3A_169 = tpu.vector_load %arg17[%get3A_168] {strides = array<i32>} : memref<512xf32, #tpu.memory_space<vmem>>, vector<16xf32>,
    %get3A_170 = arith.constant 160 : index
    %get3A_171 = tpu.vector_load %arg15[%get3A_170] {strides = array<i32>} : memref<512xf32, #tpu.memory_space<vmem>>, vector<16xf32>,
    %add3A_172 = arith.addf %get3A_169, %get3A_171 : vector<16xf32>
    %get3A_173 = arith.constant 160 : index
    %get3A_174 = tpu.vector_load %arg16[%get3A_173] {strides = array<i32>} : memref<512xf32, #tpu.memory_space<vmem>>, vector<16xf32>,
    %add3A_175 = arith.addf %add3A_172, %get3A_174 : vector<16xf32>
    %swap3A_176 = arith.constant 160 : index
    %swap3A_177 = tpu.vector_load %arg17[%swap3A_176] {strides = array<i32>} : memref<512xf32, #tpu.memory_space<vmem>>, vector<16xf32>,
    tpu.vector_store %arg17[%swap3A_176], %add3A_175 {strides = array<i32>} : memref<512xf32, #tpu.memory_space<vmem>>, vector<16xf32>,
    %get3A_178 = arith.constant 176 : index
    %get3A_179 = tpu.vector_load %arg17[%get3A_178] {strides = array<i32>} : memref<512xf32, #tpu.memory_space<vmem>>, vector<16xf32>,
    %get3A_180 = arith.constant 176 : index
    %get3A_181 = tpu.vector_load %arg15[%get3A_180] {strides = array<i32>} : memref<512xf32, #tpu.memory_space<vmem>>, vector<16xf32>,
    %add3A_182 = arith.addf %get3A_179, %get3A_181 : vector<16xf32>
    %get3A_183 = arith.constant 176 : index
    %get3A_184 = tpu.vector_load %arg16[%get3A_183] {strides = array<i32>} : memref<512xf32, #tpu.memory_space<vmem>>, vector<16xf32>,
    %add3A_185 = arith.addf %add3A_182, %get3A_184 : vector<16xf32>
    %swap3A_186 = arith.constant 176 : index
    %swap3A_187 = tpu.vector_load %arg17[%swap3A_186] {strides = array<i32>} : memref<512xf32, #tpu.memory_space<vmem>>, vector<16xf32>,
    tpu.vector_store %arg17[%swap3A_186], %add3A_185 {strides = array<i32>} : memref<512xf32, #tpu.memory_space<vmem>>, vector<16xf32>,
    %get3A_188 = arith.constant 192 : index
    %get3A_189 = tpu.vector_load %arg17[%get3A_188] {strides = array<i32>} : memref<512xf32, #tpu.memory_space<vmem>>, vector<16xf32>,
    %get3A_190 = arith.constant 192 : index
    %get3A_191 = tpu.vector_load %arg15[%get3A_190] {strides = array<i32>} : memref<512xf32, #tpu.memory_space<vmem>>, vector<16xf32>,
    %add3A_192 = arith.addf %get3A_189, %get3A_191 : vector<16xf32>
    %get3A_193 = arith.constant 192 : index
    %get3A_194 = tpu.vector_load %arg16[%get3A_193] {strides = array<i32>} : memref<512xf32, #tpu.memory_space<vmem>>, vector<16xf32>,
    %add3A_195 = arith.addf %add3A_192, %get3A_194 : vector<16xf32>
    %swap3A_196 = arith.constant 192 : index
    %swap3A_197 = tpu.vector_load %arg17[%swap3A_196] {strides = array<i32>} : memref<512xf32, #tpu.memory_space<vmem>>, vector<16xf32>,
    tpu.vector_store %arg17[%swap3A_196], %add3A_195 {strides = array<i32>} : memref<512xf32, #tpu.memory_space<vmem>>, vector<16xf32>,
    %get3A_198 = arith.constant 208 : index
    %get3A_199 = tpu.vector_load %arg17[%get3A_198] {strides = array<i32>} : memref<512xf32, #tpu.memory_space<vmem>>, vector<16xf32>,
    %get3A_200 = arith.constant 208 : index
    %get3A_201 = tpu.vector_load %arg15[%get3A_200] {strides = array<i32>} : memref<512xf32, #tpu.memory_space<vmem>>, vector<16xf32>,
    %add3A_202 = arith.addf %get3A_199, %get3A_201 : vector<16xf32>
    %get3A_203 = arith.constant 208 : index
    %get3A_204 = tpu.vector_load %arg16[%get3A_203] {strides = array<i32>} : memref<512xf32, #tpu.memory_space<vmem>>, vector<16xf32>,
    %add3A_205 = arith.addf %add3A_202, %get3A_204 : vector<16xf32>
    %swap3A_206 = arith.constant 208 : index
    %swap3A_207 = tpu.vector_load %arg17[%swap3A_206] {strides = array<i32>} : memref<512xf32, #tpu.memory_space<vmem>>, vector<16xf32>,
    tpu.vector_store %arg17[%swap3A_206], %add3A_205 {strides = array<i32>} : memref<512xf32, #tpu.memory_space<vmem>>, vector<16xf32>,
    %get3A_208 = arith.constant 224 : index
    %get3A_209 = tpu.vector_load %arg17[%get3A_208] {strides = array<i32>} : memref<512xf32, #tpu.memory_space<vmem>>, vector<16xf32>,
    %get3A_210 = arith.constant 224 : index
    %get3A_211 = tpu.vector_load %arg15[%get3A_210] {strides = array<i32>} : memref<512xf32, #tpu.memory_space<vmem>>, vector<16xf32>,
    %add3A_212 = arith.addf %get3A_209, %get3A_211 : vector<16xf32>
    %get3A_213 = arith.constant 224 : index
    %get3A_214 = tpu.vector_load %arg16[%get3A_213] {strides = array<i32>} : memref<512xf32, #tpu.memory_space<vmem>>, vector<16xf32>,
    %add3A_215 = arith.addf %add3A_212, %get3A_214 : vector<16xf32>
    %swap3A_216 = arith.constant 224 : index
    %swap3A_217 = tpu.vector_load %arg17[%swap3A_216] {strides = array<i32>} : memref<512xf32, #tpu.memory_space<vmem>>, vector<16xf32>,
    tpu.vector_store %arg17[%swap3A_216], %add3A_215 {strides = array<i32>} : memref<512xf32, #tpu.memory_space<vmem>>, vector<16xf32>,
    %get3A_218 = arith.constant 240 : index
    %get3A_219 = tpu.vector_load %arg17[%get3A_218] {strides = array<i32>} : memref<512xf32, #tpu.memory_space<vmem>>, vector<16xf32>,
    %get3A_220 = arith.constant 240 : index
    %get3A_221 = tpu.vector_load %arg15[%get3A_220] {strides = array<i32>} : memref<512xf32, #tpu.memory_space<vmem>>, vector<16xf32>,
    %add3A_222 = arith.addf %get3A_219, %get3A_221 : vector<16xf32>
    %get3A_223 = arith.constant 240 : index
    %get3A_224 = tpu.vector_load %arg16[%get3A_223] {strides = array<i32>} : memref<512xf32, #tpu.memory_space<vmem>>, vector<16xf32>,
    %add3A_225 = arith.addf %add3A_222, %get3A_224 : vector<16xf32>
    %swap3A_226 = arith.constant 240 : index
    %swap3A_227 = tpu.vector_load %arg17[%swap3A_226] {strides = array<i32>} : memref<512xf32, #tpu.memory_space<vmem>>, vector<16xf32>,
    tpu.vector_store %arg17[%swap3A_226], %add3A_225 {strides = array<i32>} : memref<512xf32, #tpu.memory_space<vmem>>, vector<16xf32>,
    %get3A_228 = arith.constant 256 : index
    %get3A_229 = tpu.vector_load %arg17[%get3A_228] {strides = array<i32>} : memref<512xf32, #tpu.memory_space<vmem>>, vector<16xf32>,
    %get3A_230 = arith.constant 256 : index
    %get3A_231 = tpu.vector_load %arg15[%get3A_230] {strides = array<i32>} : memref<512xf32, #tpu.memory_space<vmem>>, vector<16xf32>,
    %add3A_232 = arith.addf %get3A_229, %get3A_231 : vector<16xf32>
    %get3A_233 = arith.constant 256 : index
    %get3A_234 = tpu.vector_load %arg16[%get3A_233] {strides = array<i32>} : memref<512xf32, #tpu.memory_space<vmem>>, vector<16xf32>,
    %add3A_235 = arith.addf %add3A_232, %get3A_234 : vector<16xf32>
    %swap3A_236 = arith.constant 256 : index
    %swap3A_237 = tpu.vector_load %arg17[%swap3A_236] {strides = array<i32>} : memref<512xf32, #tpu.memory_space<vmem>>, vector<16xf32>,
    tpu.vector_store %arg17[%swap3A_236], %add3A_235 {strides = array<i32>} : memref<512xf32, #tpu.memory_space<vmem>>, vector<16xf32>,
    %get3A_238 = arith.constant 272 : index
    %get3A_239 = tpu.vector_load %arg17[%get3A_238] {strides = array<i32>} : memref<512xf32, #tpu.memory_space<vmem>>, vector<16xf32>,
    %get3A_240 = arith.constant 272 : index
    %get3A_241 = tpu.vector_load %arg15[%get3A_240] {strides = array<i32>} : memref<512xf32, #tpu.memory_space<vmem>>, vector<16xf32>,
    %add3A_242 = arith.addf %get3A_239, %get3A_241 : vector<16xf32>
    %get3A_243 = arith.constant 272 : index
    %get3A_244 = tpu.vector_load %arg16[%get3A_243] {strides = array<i32>} : memref<512xf32, #tpu.memory_space<vmem>>, vector<16xf32>,
    %add3A_245 = arith.addf %add3A_242, %get3A_244 : vector<16xf32>
    %swap3A_246 = arith.constant 272 : index
    %swap3A_247 = tpu.vector_load %arg17[%swap3A_246] {strides = array<i32>} : memref<512xf32, #tpu.memory_space<vmem>>, vector<16xf32>,
    tpu.vector_store %arg17[%swap3A_246], %add3A_245 {strides = array<i32>} : memref<512xf32, #tpu.memory_space<vmem>>, vector<16xf32>,
    %get3A_248 = arith.constant 288 : index
    %get3A_249 = tpu.vector_load %arg17[%get3A_248] {strides = array<i32>} : memref<512xf32, #tpu.memory_space<vmem>>, vector<16xf32>,
    %get3A_250 = arith.constant 288 : index
    %get3A_251 = tpu.vector_load %arg15[%get3A_250] {strides = array<i32>} : memref<512xf32, #tpu.memory_space<vmem>>, vector<16xf32>,
    %add3A_252 = arith.addf %get3A_249, %get3A_251 : vector<16xf32>
    %get3A_253 = arith.constant 288 : index
    %get3A_254 = tpu.vector_load %arg16[%get3A_253] {strides = array<i32>} : memref<512xf32, #tpu.memory_space<vmem>>, vector<16xf32>,
    %add3A_255 = arith.addf %add3A_252, %get3A_254 : vector<16xf32>
    %swap3A_256 = arith.constant 288 : index
    %swap3A_257 = tpu.vector_load %arg17[%swap3A_256] {strides = array<i32>} : memref<512xf32, #tpu.memory_space<vmem>>, vector<16xf32>,
    tpu.vector_store %arg17[%swap3A_256], %add3A_255 {strides = array<i32>} : memref<512xf32, #tpu.memory_space<vmem>>, vector<16xf32>,
    %get3A_258 = arith.constant 304 : index
    %get3A_259 = tpu.vector_load %arg17[%get3A_258] {strides = array<i32>} : memref<512xf32, #tpu.memory_space<vmem>>, vector<16xf32>,
    %get3A_260 = arith.constant 304 : index
    %get3A_261 = tpu.vector_load %arg15[%get3A_260] {strides = array<i32>} : memref<512xf32, #tpu.memory_space<vmem>>, vector<16xf32>,
    %add3A_262 = arith.addf %get3A_259, %get3A_261 : vector<16xf32>
    %get3A_263 = arith.constant 304 : index
    %get3A_264 = tpu.vector_load %arg16[%get3A_263] {strides = array<i32>} : memref<512xf32, #tpu.memory_space<vmem>>, vector<16xf32>,
    %add3A_265 = arith.addf %add3A_262, %get3A_264 : vector<16xf32>
    %swap3A_266 = arith.constant 304 : index
    %swap3A_267 = tpu.vector_load %arg17[%swap3A_266] {strides = array<i32>} : memref<512xf32, #tpu.memory_space<vmem>>, vector<16xf32>,
    tpu.vector_store %arg17[%swap3A_266], %add3A_265 {strides = array<i32>} : memref<512xf32, #tpu.memory_space<vmem>>, vector<16xf32>,
    %get3A_268 = arith.constant 320 : index
    %get3A_269 = tpu.vector_load %arg17[%get3A_268] {strides = array<i32>} : memref<512xf32, #tpu.memory_space<vmem>>, vector<16xf32>,
    %get3A_270 = arith.constant 320 : index
    %get3A_271 = tpu.vector_load %arg15[%get3A_270] {strides = array<i32>} : memref<512xf32, #tpu.memory_space<vmem>>, vector<16xf32>,
    %add3A_272 = arith.addf %get3A_269, %get3A_271 : vector<16xf32>
    %get3A_273 = arith.constant 320 : index
    %get3A_274 = tpu.vector_load %arg16[%get3A_273] {strides = array<i32>} : memref<512xf32, #tpu.memory_space<vmem>>, vector<16xf32>,
    %add3A_275 = arith.addf %add3A_272, %get3A_274 : vector<16xf32>
    %swap3A_276 = arith.constant 320 : index
    %swap3A_277 = tpu.vector_load %arg17[%swap3A_276] {strides = array<i32>} : memref<512xf32, #tpu.memory_space<vmem>>, vector<16xf32>,
    tpu.vector_store %arg17[%swap3A_276], %add3A_275 {strides = array<i32>} : memref<512xf32, #tpu.memory_space<vmem>>, vector<16xf32>,
    %get3A_278 = arith.constant 336 : index
    %get3A_279 = tpu.vector_load %arg17[%get3A_278] {strides = array<i32>} : memref<512xf32, #tpu.memory_space<vmem>>, vector<16xf32>,
    %get3A_280 = arith.constant 336 : index
    %get3A_281 = tpu.vector_load %arg15[%get3A_280] {strides = array<i32>} : memref<512xf32, #tpu.memory_space<vmem>>, vector<16xf32>,
    %add3A_282 = arith.addf %get3A_279, %get3A_281 : vector<16xf32>
    %get3A_283 = arith.constant 336 : index
    %get3A_284 = tpu.vector_load %arg16[%get3A_283] {strides = array<i32>} : memref<512xf32, #tpu.memory_space<vmem>>, vector<16xf32>,
    %add3A_285 = arith.addf %add3A_282, %get3A_284 : vector<16xf32>
    %swap3A_286 = arith.constant 336 : index
    %swap3A_287 = tpu.vector_load %arg17[%swap3A_286] {strides = array<i32>} : memref<512xf32, #tpu.memory_space<vmem>>, vector<16xf32>,
    tpu.vector_store %arg17[%swap3A_286], %add3A_285 {strides = array<i32>} : memref<512xf32, #tpu.memory_space<vmem>>, vector<16xf32>,
    %get3A_288 = arith.constant 352 : index
    %get3A_289 = tpu.vector_load %arg17[%get3A_288] {strides = array<i32>} : memref<512xf32, #tpu.memory_space<vmem>>, vector<16xf32>,
    %get3A_290 = arith.constant 352 : index
    %get3A_291 = tpu.vector_load %arg15[%get3A_290] {strides = array<i32>} : memref<512xf32, #tpu.memory_space<vmem>>, vector<16xf32>,
    %add3A_292 = arith.addf %get3A_289, %get3A_291 : vector<16xf32>
    %get3A_293 = arith.constant 352 : index
    %get3A_294 = tpu.vector_load %arg16[%get3A_293] {strides = array<i32>} : memref<512xf32, #tpu.memory_space<vmem>>, vector<16xf32>,
    %add3A_295 = arith.addf %add3A_292, %get3A_294 : vector<16xf32>
    %swap3A_296 = arith.constant 352 : index
    %swap3A_297 = tpu.vector_load %arg17[%swap3A_296] {strides = array<i32>} : memref<512xf32, #tpu.memory_space<vmem>>, vector<16xf32>,
    tpu.vector_store %arg17[%swap3A_296], %add3A_295 {strides = array<i32>} : memref<512xf32, #tpu.memory_space<vmem>>, vector<16xf32>,
    %get3A_298 = arith.constant 368 : index
    %get3A_299 = tpu.vector_load %arg17[%get3A_298] {strides = array<i32>} : memref<512xf32, #tpu.memory_space<vmem>>, vector<16xf32>,
    %get3A_300 = arith.constant 368 : index
    %get3A_301 = tpu.vector_load %arg15[%get3A_300] {strides = array<i32>} : memref<512xf32, #tpu.memory_space<vmem>>, vector<16xf32>,
    %add3A_302 = arith.addf %get3A_299, %get3A_301 : vector<16xf32>
    %get3A_303 = arith.constant 368 : index
    %get3A_304 = tpu.vector_load %arg16[%get3A_303] {strides = array<i32>} : memref<512xf32, #tpu.memory_space<vmem>>, vector<16xf32>,
    %add3A_305 = arith.addf %add3A_302, %get3A_304 : vector<16xf32>
    %swap3A_306 = arith.constant 368 : index
    %swap3A_307 = tpu.vector_load %arg17[%swap3A_306] {strides = array<i32>} : memref<512xf32, #tpu.memory_space<vmem>>, vector<16xf32>,
    tpu.vector_store %arg17[%swap3A_306], %add3A_305 {strides = array<i32>} : memref<512xf32, #tpu.memory_space<vmem>>, vector<16xf32>,
    %get3A_308 = arith.constant 384 : index
    %get3A_309 = tpu.vector_load %arg17[%get3A_308] {strides = array<i32>} : memref<512xf32, #tpu.memory_space<vmem>>, vector<16xf32>,
    %get3A_310 = arith.constant 384 : index
    %get3A_311 = tpu.vector_load %arg15[%get3A_310] {strides = array<i32>} : memref<512xf32, #tpu.memory_space<vmem>>, vector<16xf32>,
    %add3A_312 = arith.addf %get3A_309, %get3A_311 : vector<16xf32>
    %get3A_313 = arith.constant 384 : index
    %get3A_314 = tpu.vector_load %arg16[%get3A_313] {strides = array<i32>} : memref<512xf32, #tpu.memory_space<vmem>>, vector<16xf32>,
    %add3A_315 = arith.addf %add3A_312, %get3A_314 : vector<16xf32>
    %swap3A_316 = arith.constant 384 : index
    %swap3A_317 = tpu.vector_load %arg17[%swap3A_316] {strides = array<i32>} : memref<512xf32, #tpu.memory_space<vmem>>, vector<16xf32>,
    tpu.vector_store %arg17[%swap3A_316], %add3A_315 {strides = array<i32>} : memref<512xf32, #tpu.memory_space<vmem>>, vector<16xf32>,
    %get3A_318 = arith.constant 400 : index
    %get3A_319 = tpu.vector_load %arg17[%get3A_318] {strides = array<i32>} : memref<512xf32, #tpu.memory_space<vmem>>, vector<16xf32>,
    %get3A_320 = arith.constant 400 : index
    %get3A_321 = tpu.vector_load %arg15[%get3A_320] {strides = array<i32>} : memref<512xf32, #tpu.memory_space<vmem>>, vector<16xf32>,
    %add3A_322 = arith.addf %get3A_319, %get3A_321 : vector<16xf32>
    %get3A_323 = arith.constant 400 : index
    %get3A_324 = tpu.vector_load %arg16[%get3A_323] {strides = array<i32>} : memref<512xf32, #tpu.memory_space<vmem>>, vector<16xf32>,
    %add3A_325 = arith.addf %add3A_322, %get3A_324 : vector<16xf32>
    %swap3A_326 = arith.constant 400 : index
    %swap3A_327 = tpu.vector_load %arg17[%swap3A_326] {strides = array<i32>} : memref<512xf32, #tpu.memory_space<vmem>>, vector<16xf32>,
    tpu.vector_store %arg17[%swap3A_326], %add3A_325 {strides = array<i32>} : memref<512xf32, #tpu.memory_space<vmem>>, vector<16xf32>,
    %get3A_328 = arith.constant 416 : index
    %get3A_329 = tpu.vector_load %arg17[%get3A_328] {strides = array<i32>} : memref<512xf32, #tpu.memory_space<vmem>>, vector<16xf32>,
    %get3A_330 = arith.constant 416 : index
    %get3A_331 = tpu.vector_load %arg15[%get3A_330] {strides = array<i32>} : memref<512xf32, #tpu.memory_space<vmem>>, vector<16xf32>,
    %add3A_332 = arith.addf %get3A_329, %get3A_331 : vector<16xf32>
    %get3A_333 = arith.constant 416 : index
    %get3A_334 = tpu.vector_load %arg16[%get3A_333] {strides = array<i32>} : memref<512xf32, #tpu.memory_space<vmem>>, vector<16xf32>,
    %add3A_335 = arith.addf %add3A_332, %get3A_334 : vector<16xf32>
    %swap3A_336 = arith.constant 416 : index
    %swap3A_337 = tpu.vector_load %arg17[%swap3A_336] {strides = array<i32>} : memref<512xf32, #tpu.memory_space<vmem>>, vector<16xf32>,
    tpu.vector_store %arg17[%swap3A_336], %add3A_335 {strides = array<i32>} : memref<512xf32, #tpu.memory_space<vmem>>, vector<16xf32>,
    %get3A_338 = arith.constant 432 : index
    %get3A_339 = tpu.vector_load %arg17[%get3A_338] {strides = array<i32>} : memref<512xf32, #tpu.memory_space<vmem>>, vector<16xf32>,
    %get3A_340 = arith.constant 432 : index
    %get3A_341 = tpu.vector_load %arg15[%get3A_340] {strides = array<i32>} : memref<512xf32, #tpu.memory_space<vmem>>, vector<16xf32>,
    %add3A_342 = arith.addf %get3A_339, %get3A_341 : vector<16xf32>
    %get3A_343 = arith.constant 432 : index
    %get3A_344 = tpu.vector_load %arg16[%get3A_343] {strides = array<i32>} : memref<512xf32, #tpu.memory_space<vmem>>, vector<16xf32>,
    %add3A_345 = arith.addf %add3A_342, %get3A_344 : vector<16xf32>
    %swap3A_346 = arith.constant 432 : index
    %swap3A_347 = tpu.vector_load %arg17[%swap3A_346] {strides = array<i32>} : memref<512xf32, #tpu.memory_space<vmem>>, vector<16xf32>,
    tpu.vector_store %arg17[%swap3A_346], %add3A_345 {strides = array<i32>} : memref<512xf32, #tpu.memory_space<vmem>>, vector<16xf32>,
    %get3A_348 = arith.constant 448 : index
    %get3A_349 = tpu.vector_load %arg17[%get3A_348] {strides = array<i32>} : memref<512xf32, #tpu.memory_space<vmem>>, vector<16xf32>,
    %get3A_350 = arith.constant 448 : index
    %get3A_351 = tpu.vector_load %arg15[%get3A_350] {strides = array<i32>} : memref<512xf32, #tpu.memory_space<vmem>>, vector<16xf32>,
    %add3A_352 = arith.addf %get3A_349, %get3A_351 : vector<16xf32>
    %get3A_353 = arith.constant 448 : index
    %get3A_354 = tpu.vector_load %arg16[%get3A_353] {strides = array<i32>} : memref<512xf32, #tpu.memory_space<vmem>>, vector<16xf32>,
    %add3A_355 = arith.addf %add3A_352, %get3A_354 : vector<16xf32>
    %swap3A_356 = arith.constant 448 : index
    %swap3A_357 = tpu.vector_load %arg17[%swap3A_356] {strides = array<i32>} : memref<512xf32, #tpu.memory_space<vmem>>, vector<16xf32>,
    tpu.vector_store %arg17[%swap3A_356], %add3A_355 {strides = array<i32>} : memref<512xf32, #tpu.memory_space<vmem>>, vector<16xf32>,
    %get3A_358 = arith.constant 464 : index
    %get3A_359 = tpu.vector_load %arg17[%get3A_358] {strides = array<i32>} : memref<512xf32, #tpu.memory_space<vmem>>, vector<16xf32>,
    %get3A_360 = arith.constant 464 : index
    %get3A_361 = tpu.vector_load %arg15[%get3A_360] {strides = array<i32>} : memref<512xf32, #tpu.memory_space<vmem>>, vector<16xf32>,
    %add3A_362 = arith.addf %get3A_359, %get3A_361 : vector<16xf32>
    %get3A_363 = arith.constant 464 : index
    %get3A_364 = tpu.vector_load %arg16[%get3A_363] {strides = array<i32>} : memref<512xf32, #tpu.memory_space<vmem>>, vector<16xf32>,
    %add3A_365 = arith.addf %add3A_362, %get3A_364 : vector<16xf32>
    %swap3A_366 = arith.constant 464 : index
    %swap3A_367 = tpu.vector_load %arg17[%swap3A_366] {strides = array<i32>} : memref<512xf32, #tpu.memory_space<vmem>>, vector<16xf32>,
    tpu.vector_store %arg17[%swap3A_366], %add3A_365 {strides = array<i32>} : memref<512xf32, #tpu.memory_space<vmem>>, vector<16xf32>,
    %get3A_368 = arith.constant 480 : index
    %get3A_369 = tpu.vector_load %arg17[%get3A_368] {strides = array<i32>} : memref<512xf32, #tpu.memory_space<vmem>>, vector<16xf32>,
    %get3A_370 = arith.constant 480 : index
    %get3A_371 = tpu.vector_load %arg15[%get3A_370] {strides = array<i32>} : memref<512xf32, #tpu.memory_space<vmem>>, vector<16xf32>,
    %add3A_372 = arith.addf %get3A_369, %get3A_371 : vector<16xf32>
    %get3A_373 = arith.constant 480 : index
    %get3A_374 = tpu.vector_load %arg16[%get3A_373] {strides = array<i32>} : memref<512xf32, #tpu.memory_space<vmem>>, vector<16xf32>,
    %add3A_375 = arith.addf %add3A_372, %get3A_374 : vector<16xf32>
    %swap3A_376 = arith.constant 480 : index
    %swap3A_377 = tpu.vector_load %arg17[%swap3A_376] {strides = array<i32>} : memref<512xf32, #tpu.memory_space<vmem>>, vector<16xf32>,
    tpu.vector_store %arg17[%swap3A_376], %add3A_375 {strides = array<i32>} : memref<512xf32, #tpu.memory_space<vmem>>, vector<16xf32>,
    %get3A_378 = arith.constant 496 : index
    %get3A_379 = tpu.vector_load %arg17[%get3A_378] {strides = array<i32>} : memref<512xf32, #tpu.memory_space<vmem>>, vector<16xf32>,
    %get3A_380 = arith.constant 496 : index
    %get3A_381 = tpu.vector_load %arg15[%get3A_380] {strides = array<i32>} : memref<512xf32, #tpu.memory_space<vmem>>, vector<16xf32>,
    %add3A_382 = arith.addf %get3A_379, %get3A_381 : vector<16xf32>
    %get3A_383 = arith.constant 496 : index
    %get3A_384 = tpu.vector_load %arg16[%get3A_383] {strides = array<i32>} : memref<512xf32, #tpu.memory_space<vmem>>, vector<16xf32>,
    %add3A_385 = arith.addf %add3A_382, %get3A_384 : vector<16xf32>
    %swap3A_386 = arith.constant 496 : index
    %swap3A_387 = tpu.vector_load %arg17[%swap3A_386] {strides = array<i32>} : memref<512xf32, #tpu.memory_space<vmem>>, vector<16xf32>,
    tpu.vector_store %arg17[%swap3A_386], %add3A_385 {strides = array<i32>} : memref<512xf32, #tpu.memory_space<vmem>>, vector<16xf32>,
    "tpu.region"() ({
      %run_scoped3A = tpu.sem_alloc : memref<!tpu.dma_semaphore, #tpu.memory_space<semaphore_mem>>
      %dma_start3A_388 = tpu.memref_slice %arg9[%mul3A_2] : memref<16384xf32, #tpu.memory_space<hbm>> -> memref<512xf32, #tpu.memory_space<hbm>>
      %dma_start3A_389 = tpu.memref_slice %arg9[%mul3A_2] : memref<16384xf32, #tpu.memory_space<hbm>> -> memref<512xf32, #tpu.memory_space<hbm>>
      tpu.enqueue_dma source(%arg17 : memref<512xf32, #tpu.memory_space<vmem>>) target(%dma_start3A_389 : memref<512xf32, #tpu.memory_space<hbm>>) target_semaphore(%run_scoped3A : memref<!tpu.dma_semaphore, #tpu.memory_space<semaphore_mem>>)
      %dma_wait3A_390 = tpu.memref_slice %arg9[%mul3A_2] : memref<16384xf32, #tpu.memory_space<hbm>> -> memref<512xf32, #tpu.memory_space<hbm>>
      %dma_wait3A_391 = tpu.memref_slice %arg9[%mul3A_2] : memref<16384xf32, #tpu.memory_space<hbm>> -> memref<512xf32, #tpu.memory_space<hbm>>
      tpu.wait_dma2 semaphore(%run_scoped3A : memref<!tpu.dma_semaphore, #tpu.memory_space<semaphore_mem>>) src(%arg17 : memref<512xf32, #tpu.memory_space<vmem>>) dst(%dma_wait3A_391 : memref<512xf32, #tpu.memory_space<hbm>>)
      tpu.yield
    }) : () -> ()
    return
  }
}

</mosaic_0001>

<sc_bundles>
// kernel: _run.3.cloned.1.call-start
scs
__scs_entry_jumppad:
0x0: {  	(pc) =	sbr.rel $0x88, $3  }
0x1: {  	(tag) =	ssettag $0x0;
	lr =	simm.s32 $0x1  }
0x2: {  	[smem:$0x3F9B] =	sst lr;
	_ =	strace $0xD0000000  }
0x3: {  	_ = 	snop  }
0x4: {  	_ = 	snop  }
0x5: {  	_ = 	snop  }
0x6: {  	_ = 	snop  }
0x7: {  	_ = 	snop  }
__scs_overlays_trampoline_lowered:
0x8: {  	[smem:$0x3FAA] =	sst s0  }
0x9: {  	[smem:$0x3FAB] =	sst s1  }
0xa: {  	[smem:$0x3FAC] =	sst s2  }
0xb: {  	[smem:$0x3FAD] =	sst s3  }
0xc: {  	[smem:$0x3FAE] =	sst s4  }
0xd: {  	[smem:$0x3FAF] =	sst s5  }
0xe: {  	[smem:$0x3FB0] =	sst s6  }
0xf: {  	[smem:$0x3FB1] =	sst s7  }
0x10: {  	[smem:$0x3FB2] =	sst s8  }
0x11: {  	[smem:$0x3FB3] =	sst s9;
	s0 =	simm.s32 @!p0 $0x0  }
0x12: {  	s1 =	sld [smem:$0x3F99];
	s0 =	simm.s32 @p0 $0x1  }
0x13: {  	[smem:$0x3FB4] =	sst s0;
	s0 =	simm.s32 @!p1 $0x0  }
0x14: {  	s2 =	sld [smem:$0x3F98];
	s0 =	simm.s32 @p1 $0x1  }
0x15: {  	[smem:$0x3FB5] =	sst s0;
	s0 =	simm.s32 @!p2 $0x0  }
0x16: {  	s3 =	sld [smem:$0x3FDB];
	s0 =	simm.s32 @p2 $0x1  }
0x17: {  	s4 =	simm.s32 $0x1BF5;
	[smem:$0x3FB7] =	sst s0  }
0x18: {  	s0 =	sld [smem:$0x3F9A];
	_ =	swait.ge [sflag:s4], $0x0  }
0x19: {  	s7 =	sld [smem:$0x3F9B]  }
0x1a: {  	s8 =	sadd.s32 $0xFFFFE003, lr  }
0x1b: {  	s9 =	sadd.s32 $0xFFFFFEF7, lr;
	s5 =	simm.s32 $0xFFFFFFFF;
	p2 =	slt.u32 s8, $0xFFFFF086  }
0x1c: {  	p1 =	slt.u32 s9, $0xF7A;
	s5 =	simm.s32 @!p2 $0x0  }
0x1d: {  	s5 =	simm.s32 @p1 $0x1;
	p0 =	seq.s32 s7, s2  }
0x1e: {  	s7 =	smul.u32 @!p0 $0xF7A, s2;
	p2 =	seq.s32 @!p0 s5, $0x0  }
0x1f: {  	s9 =	smul.u32 $0xF7A, s1;
	s8 =	simm.s32 @!p0 $0x1BF5;
	p2 =	por !p2, p0  }
0x20: {  	[sflag:s8] =	ssyncset.s32 @!p0 $0xFFFFF086;
	s6 =	sadd.s32 @!p0 s3, s7;
	s7 =	simm.s32 @!p0 $0x108  }
0x21: {  	s3 =	sadd.s32 s3, s9;
	s6 =	sadd.s32 @!p0 $0x88, s6;
	s7 =	simm.s32 @p2 $0x1082  }
0x22: {  	[simem:s7], [sflag:s8] =	dma.local @!p0 [hbm:s6], $0xF7A  }
0x23: {  	s9 =	sor.u32 $0xD0000000, s2;
	s6 =	simm.s32 $0x108;
	_ =	swait.ge @!p0 [sflag:s8], $0x0  }
0x24: {  	s3 =	sadd.s32 $0x88, s3;
	s6 =	simm.s32 @!p1 $0x1082;
	[sflag:s4] =	ssyncset.s32 $0xFFFFF086  }
0x25: {  	[simem:s6], [sflag:s4] =	dma.local [hbm:s3], $0xF7A  }
0x26: {  	[smem:$0x3F9B] =	sst s1;
	(tag) =	ssettag s2;
	_ =	strace s9  }
0x27: {  	s1 =	sld [smem:$0x3FAB]  }
0x28: {  	s2 =	sld [smem:$0x3FAC]  }
0x29: {  	s4 =	sld [smem:$0x3FAE]  }
0x2a: {  	p0 =	seq.s32 s5, $0x0;
	s5 =	sld [smem:$0x3FAF]  }
0x2b: {  	s6 =	sld [smem:$0x3FB0]  }
0x2c: {  	s7 =	sld [smem:$0x3FB1]  }
0x2d: {  	s3 =	simm.s32 $0x108;
	s8 =	sld [smem:$0x3FB2]  }
0x2e: {  	s3 =	simm.s32 @!p0 $0x1082;
	s9 =	sld [smem:$0x3FB3]  }
0x2f: {  	lr =	sadd.s32 s0, s3;
	s0 =	sld [smem:$0x3FAA]  }
0x30: {  	s3 =	sld [smem:$0x3FAD]  }
0x31: {  	[smem:$0x3FB6] =	sst s10  }
0x32: {  	s10 =	sld [smem:$0x3FB4];
	_ =	sdelay $0x3  }
0x33: {  	p0 =	seq.s32 s10, $0x1;
	s10 =	sld [smem:$0x3FB6];
	_ =	sdelay $0x3  }
0x34: {  	[smem:$0x3FB6] =	sst s10  }
0x35: {  	s10 =	sld [smem:$0x3FB5];
	_ =	sdelay $0x3  }
0x36: {  	p1 =	seq.s32 s10, $0x1;
	s10 =	sld [smem:$0x3FB6];
	_ =	sdelay $0x3  }
0x37: {  	[smem:$0x3FB6] =	sst s10  }
0x38: {  	s10 =	sld [smem:$0x3FB7]  }
0x39: {  	_ = 	snop;
	(pc) =	sbr.ind lr, $3  }
0x3a: {  	_ = 	snop  }
0x3b: {  	_ = 	snop  }
0x3c: {  	p2 =	seq.s32 s10, $0x1;
	s10 =	sld [smem:$0x3FB6]  }
0x3d: {  	_ =	shalt  }
0x3e: {  	_ =	shalt  }
0x3f: {  	_ =	shalt  }
0x40: {  	_ =	shalt  }
0x41: {  	_ =	shalt  }
0x42: {  	_ =	shalt  }
0x43: {  	_ =	shalt  }
0x44: {  	_ =	shalt  }
0x45: {  	_ =	shalt  }
0x46: {  	_ =	shalt  }
0x47: {  	_ =	shalt  }
0x48: {  	_ =	shalt  }
0x49: {  	_ =	shalt  }
0x4a: {  	_ =	shalt  }
0x4b: {  	_ =	shalt  }
0x4c: {  	_ =	shalt  }
0x4d: {  	_ =	shalt  }
0x4e: {  	_ =	shalt  }
0x4f: {  	_ =	shalt  }
0x50: {  	_ =	shalt  }
0x51: {  	_ =	shalt  }
0x52: {  	_ =	shalt  }
0x53: {  	_ =	shalt  }
0x54: {  	_ =	shalt  }
0x55: {  	_ =	shalt  }
0x56: {  	_ =	shalt  }
0x57: {  	_ =	shalt  }
0x58: {  	_ =	shalt  }
0x59: {  	_ =	shalt  }
0x5a: {  	_ =	shalt  }
0x5b: {  	_ =	shalt  }
0x5c: {  	_ =	shalt  }
0x5d: {  	_ =	shalt  }
0x5e: {  	_ =	shalt  }
0x5f: {  	_ =	shalt  }
0x60: {  	_ =	shalt  }
0x61: {  	_ =	shalt  }
0x62: {  	_ =	shalt  }
0x63: {  	_ =	shalt  }
0x64: {  	_ =	shalt  }
0x65: {  	_ =	shalt  }
0x66: {  	_ =	shalt  }
0x67: {  	_ =	shalt  }
0x68: {  	_ =	shalt  }
0x69: {  	_ =	shalt  }
0x6a: {  	_ =	shalt  }
0x6b: {  	_ =	shalt  }
0x6c: {  	_ =	shalt  }
0x6d: {  	_ =	shalt  }
0x6e: {  	_ =	shalt  }
0x6f: {  	_ =	shalt  }
0x70: {  	_ =	shalt  }
0x71: {  	_ =	shalt  }
0x72: {  	_ =	shalt  }
0x73: {  	_ =	shalt  }
0x74: {  	_ =	shalt  }
0x75: {  	_ =	shalt  }
0x76: {  	_ =	shalt  }
0x77: {  	_ =	shalt  }
0x78: {  	_ =	shalt  }
0x79: {  	_ =	shalt  }
0x7a: {  	_ =	shalt  }
0x7b: {  	_ =	shalt  }
0x7c: {  	_ =	shalt  }
0x7d: {  	_ =	shalt  }
0x7e: {  	_ =	shalt  }
0x7f: {  	_ =	shalt  }
0x80: {  	_ =	shalt  }
0x81: {  	_ =	shalt  }
0x82: {  	_ =	shalt  }
0x83: {  	_ =	shalt  }
0x84: {  	_ =	shalt  }
0x85: {  	_ =	shalt  }
0x86: {  	_ =	shalt  }
0x87: {  	_ =	shalt  }
.Lfunc_end0:
.L_simem_size_0:
called_computation_lowered:
.L_overlay_start_0:
0x88: {  	s2 =	sld [smem:$0x3FD9]  }
0x89: {  	s3 =	sld [smem:$0x3FFE];
	_ =	sdelay $0x1  }
0x8a: {  	s1 =	srdreg.scid  }
0x8b: {  	s0 =	sand.u32 $0x1, s1  }
0x8c: {  	s17 =	sshll.u32 s0, $0xA;
	s2 =	sadd.s32 s3, s2  }
0x8d: {  	s2 =	sadd.s32 s2, s17  }
0x8e: {  	[smem:$0x3FC2] =	sst s2  }
0x8f: {  	_ = 	snop  }
0x90: {  	s2 =	sld [smem:$0x3FC6]  }
0x91: {  	s18 =	sld [smem:$0x3FD0];
	(tm) =	ssettm $0x1  }
0x92: {  	s4 =	sld [smem:$0x3FFB];
	_ =	sdelay $0x3  }
0x93: {  	_ =	strace s4  }
0x94: {  	s4 =	sld [smem:$0x3FFC];
	_ =	sdelay $0x3  }
0x95: {  	_ =	strace s4  }
0x96: {  	s4 =	sld [smem:$0x3FFD];
	_ =	sdelay $0x3  }
0x97: {  	_ =	strace s4  }
0x98: {  	_ =	strace $0x8FFFFFFF  }
0x99: {  	s19 =	sld [smem:$0x3FDB];
	_ =	sdelay $0x1  }
0x9a: {  	s5 =	simm.s32 $_scs_section_size  }
0x9b: {  	s6 =	simm.s32 $_size__tile_overlayer_lowered;
	s7 =	simm.s32 $_tile_overlayer_lowered  }
0x9c: {  	s22 =	simm.s32 $0x1BFF;
	s21 =	sshll.u32 s7, $0x1;
	s4 =	sadd.s32 s5, s19  }
0x9d: {  	s8 =	simm.s32 $0x0;
	s20 =	sshll.u32 s6, $0x1;
	s6 =	sadd.s32 s21, s4  }
0x9e: {  	[timem:s8], [sflag:s22] =	dma.local [hbm:s6], s20  }
0x9f: {  	_ =	swait.ge [sflag:s22], s20  }
0xa0: {  	s5 =	ssub.s32 $0x0, s20;
	[sflag:s22] =	ssyncset.done $0x0  }
0xa1: {  	[sflag:s22] =	ssyncadd.s32 s5;
	_ =	sdelay $0x1  }
0xa2: {  	s23 =	simm.s32 $0x1B8B  }
0xa3: {  	_ =	swait.ge [sflag:s23], $0x1  }
0xa4: {  	[sflag:s23] =	ssyncset.done $0x0  }
0xa5: {  	s25 =	simm.s32 $0x1B8E;
	s24 =	sld [smem:$0x3FFE];
	[sflag:s23] =	ssyncadd.s32 $0xFFFFFFFF  }
0xa6: {  	s26 =	simm.s32 $execute0_lowered;
	[smem:$0x3FD2] =	sst s25  }
0xa7: {  	s6 =	sshll.u32 s26, $0x1;
	_ =	strace $0x80000046;
	[dreg:$0x1] =	wrdreg $0xFFFFFFFF  }
0xa8: {  	s28 =	simm.s32 $_size_execute0_lowered;
	s4 =	sadd.s32 s4, s6;
	[dreg:$0x0] =	wrdreg $0x0  }
0xa9: {  	s6 =	sshll.u32 s28, $0x1;
	[dreg:$0x2] =	wrdreg s4  }
0xaa: {  	[dreg:$0x3] =	wrdreg s6  }
0xab: {  	[dreg:$0x4] =	wrdreg $0xC0  }
0xac: {  	_ =	task [dreg:s8], $0x5FFFF  }
0xad: {  	[dreg:$0x1] =	wrdreg $0xFFFFFFFF  }
0xae: {  	[dreg:$0x0] =	wrdreg $0x60  }
0xaf: {  	[dreg:$0x2] =	wrdreg s24  }
0xb0: {  	[dreg:$0x3] =	wrdreg s2  }
0xb1: {  	[dreg:$0x4] =	wrdreg s18  }
0xb2: {  	[dreg:$0x5] =	wrdreg $0x9  }
0xb3: {  	_ =	task.clear_ibuf [dreg:s8], $0x6FFFF;
	_ =	strace $0x90000046  }
0xb4: {  	s29 =	simm.s32 $0x9;
	_ =	strace $0x80000048  }
0xb5: {  	_ =	swait.ge [sflag:s29], $0x1  }
0xb6: {  	[sflag:s29] =	ssyncadd.s32 $0xFFFFFFFF  }
0xb7: {  	_ =	strace $0x90000048  }
0xb8: {  	_ =	sfence  }
0xb9: {  	s30 =	sld [smem:$0x0];
	_ =	sdelay $0x2  }
0xba: {  	s31 =	sshll.u32 s1, $0xD;
	s1 =	sshrl.u32 s1, $0x2  }
0xbb: {  	s3 =	sand.u32 $0x4000, s31;
	s1 =	sadd.s32 s1, s30  }
0xbc: {  	s0 =	sor.u32 s3, s0;
	s1 =	sshll.u32 s1, $0x11  }
0xbd: {  	s0 =	sor.u32 s1, s0  }
0xbe: {  	s0 =	sadd.s32 $0x8F2B, s0  }
0xbf: {  	[sflag:s0] =	ssyncadd.remote.s32 $0x1  }
0xc0: {  	_ =	sfence.sel $0xFFFF  }
0xc1: {  	[dreg:$0x0] =	wrdreg $0xFFFFFFFF;
	(pc) =	sbr.abs _section_cstart, $3  }
0xc2: {  	[dreg:$0x1] =	wrdreg $0xFFFFFFFF  }
0xc3: {  	_ =	task.clear_ibuf [dreg:s8], $0x2FFFF;
	_ =	strace $0x9FFFFFFF  }
0xc4: {  	(tm) =	ssettm $0x7FFFFFFF  }
0xc5: {  	_ =	shalt  }
tec
execute0_lowered:
.L_overlay_start_1:
0x0: {  	(tag) =	ssettag $0x1  }
0x1: {  	s8 =	rddreg [dreg:$0x0]  }
0x2: {  	s1 =	rddreg [dreg:$0x1]  }
0x3: {  	s10 =	rddreg [dreg:$0x2]  }
0x4: {  	s0 =	rddreg [dreg:$0x3];
	s2 =	simm.s32 $0x0;
	s6 =	srdreg.scid  }
0x5: {  	s3 =	stileid.u32;
	s13 =	simm.s32 $0x200;
	s14 =	simm.s32 $0x10400  }
0x6: {  	s15 =	simm.s32 $0x10480;
	s16 =	simm.s32 $0x10680;
	s17 =	simm.s32 $0x100  }
0x7: {  	s18 =	simm.s32 $0x400;
	s19 =	simm.s32 $0x8400;
	s20 =	simm.s32 $0x1  }
0x8: {  	s21 =	simm.s32 $0x2;
	s22 =	simm.s32 $0x10880;
	s23 =	simm.s32 $0x300  }
0x9: {  	s24 =	simm.s32 $0x3;
	s25 =	simm.s32 $0x4;
	s26 =	simm.s32 $0x0  }
0xa: {  	[smem:$0x7FF] =	sst s2;
	s4 =	sadd.s32 $0x1E85800, s8;
	s5 =	sadd.s32 $0x1000, s8  }
0xb: {  	s6 =	sand.u32 $0x1, s6;
	s7 =	sshll.u32 s3, $0x7;
	_ =	strace $0x80000047  }
0xc: {  	s9 =	ssub.s32 $0x2, s6;
	s11 =	sshll.u32 s6, $0x6;
	s6 =	sadd.s32 $0xF43400, s8  }
0xd: {  	s12 =	sshrl.u32 s9, $0x1;
	s11 =	sor.u32 s11, s7;
	s7 =	sadd.s32 $0xF61E00, s8  }
0xe: {  	s12 =	ssub.s32 s9, s12;
	s8 =	sadd.s32 s8, s11;
	s10 =	sadd.s32 s10, s11  }
0xf: {  	vm0 =	vcmask $0x3F3C;
	s9 =	sadd.s32 $0x800, s8;
	s11 =	smax.u32 s12, $0x1;
	s12 =	simm.s32 $0x5  }
.LBB2_1:
0x10: {  	[tilespmem:s2], [sflag:$0x5] =	stream.linear.gather [hbm4b:s9+s2], $0x200, $0x38;
	[tilespmem:$0x10A80] =	vst v63  }
0x11: {  	_ =	swait.ge [sflag:s12], $0x200  }
0x12: {  	[sflag:s12] =	ssyncset.done $0x0  }
0x13: {  	[sflag:s12] =	ssyncadd.s32 $0xFFFFFE00  }
0x14: {  	[tilespmem:s13], [sflag:$0x5] =	stream.linear.gather [hbm4b:s8+s2], $0x200, $0x38;
	[tilespmem:$0x10A80] =	vst v63  }
0x15: {  	_ =	swait.ge [sflag:s12], $0x200  }
0x16: {  	[sflag:s12] =	ssyncset.done $0x0  }
0x17: {  	[sflag:s12] =	ssyncadd.s32 $0xFFFFFE00  }
0x18: {  	[tilespmem:s14], [sflag:$0x5] =	stream.linear.gather [hbm4b:s1+s2], $0x80, $0x38;
	[tilespmem:$0x10A80] =	vst v63  }
0x19: {  	_ =	swait.ge [sflag:s12], $0x80  }
0x1a: {  	[sflag:s12] =	ssyncset.done $0x0  }
0x1b: {  	[sflag:s12] =	ssyncadd.s32 $0xFFFFFF80  }
0x1c: {  	[tilespmem:s15], [sflag:$0x3] =	stream.indirect.gather [hbm4b:s6+s13], $0x1, s2, s13, $0xb8;
	[tilespmem:$0x10A80] =	vst v63  }
0x1d: {  	_ = 	snop  }
0x1e: {  	[tilespmem:s16], [sflag:$0x4] =	stream.indirect.gather [hbm4b:s7+s13], $0x1, s13, s13, $0xb8;
	[tilespmem:$0x10A80] =	vst v63  }
0x1f: {  	v1 =	vld [tilespmem:$0x10400]  }
0x20: {  	v2 =	vld [tilespmem:$0x10410]  }
0x21: {  	v3 =	vld [tilespmem:$0x10420]  }
0x22: {  	v0 =	vld [tilespmem:$0x10430];
	[tilespmem:s18], [sflag:$0x1] =	stream.indirect.gather [hbm4b:s4+s17], $0x80, s2, s17, $0xb8  }
0x23: {  	_ = 	snop  }
0x24: {  	[tilespmem:s19], [sflag:$0x2] =	stream.indirect.gather [hbm4b:s5+s17], $0x80, s13, s17, $0xb8;
	[tilespmem:$0x10A80] =	vst v63  }
0x25: {  	_ =	swait.ge [sflag:s20], $0x8000  }
0x26: {  	[sflag:s20] =	ssyncset.done $0x0  }
0x27: {  	[sflag:s20] =	ssyncadd.s32 $0xFFFF8000  }
0x28: {  	_ =	swait.ge [sflag:s21], $0x8000  }
0x29: {  	[sflag:s21] =	ssyncset.done $0x0  }
0x2a: {  	s29 =	simm.s32 $0x8420;
	[sflag:s21] =	ssyncadd.s32 $0xFFFF8000  }
0x2b: {  	s30 =	simm.s32 $0x420;
	v4 =	vld [tilespmem:s29+$0xFFFFFFE0]  }
0x2c: {  	v5 =	vld [tilespmem:s30+$0xFFFFFFE0]  }
0x2d: {  	s31 =	simm.s32 $0x1;
	s28 =	simm.s32 $0x0;
	v6 =	vld [tilespmem:s30+$0xFFFFFFF0]  }
.LBB2_2:
0x2e: {  	p0 =	sne.s32 s31, $0xFF;
	v7 =	vld [tilespmem:s30+$0x0]  }
0x2f: {  	v8 =	vld [tilespmem:s29+$0xFFFFFFF0]  }
0x30: {  	v9 =	vld [tilespmem:s29+$0x0]  }
0x31: {  	v10 =	vld [tilespmem:s30+$0x10]  }
0x32: {  	v5 =	vmul.f32 v5, v1;
	v6 =	vmul.f32 v6, v2  }
0x33: {  	v7 =	vmul.f32 v7, v3;
	v11 =	vld [tilespmem:s29+$0x10]  }
0x34: {  	v4 =	vmul.f32 v4, v5;
	v5 =	vmul.f32 v8, v6;
	_ =	sdelay $0x1  }
0x35: {  	v4 =	vadd.f32 v5, v4;
	v5 =	vmul.f32 v9, v7;
	v6 =	vmul.f32 v10, v0;
	_ =	sdelay $0x1  }
0x36: {  	v4 =	vadd.f32 v5, v4;
	v5 =	vmul.f32 v11, v6;
	_ =	sdelay $0x1  }
0x37: {  	v4 =	vadd.f32 v5, v4;
	_ =	sdelay $0x1  }
0x38: {  	(xrf2) =	vadd.scan.msk.f32 $0xffff, v4;
	_ =	sdelay $0x5  }
0x39: {  	v4 =	vmov s28;
	s28 =	smov.u32 s31;
	_ =	sdelay $0x3  }
.Ltmp0:
0x3a: {  	v5, _, _ =	vpop (xrf2);
	(pc) =	sbr.rel @p0 .LBB2_2-.Ltmp0, $4  }
0x3b: {  	s29 =	sadd.s32 $0x80, s29;
	[tilespmem:v4+s22+$0x0] =	vst.idx.msk vm0, v5  }
0x3c: {  	s30 =	sadd.s32 $0x80, s30;
	v4 =	vld [tilespmem:s29+$0xFFFFFFE0]  }
0x3d: {  	v5 =	vld [tilespmem:s30+$0xFFFFFFE0]  }
0x3e: {  	s31 =	sadd.s32 $0x1, s31;
	v6 =	vld [tilespmem:s30+$0xFFFFFFF0]  }
0x3f: {  	v7 =	vld [tilespmem:s30+$0x0]  }
0x40: {  	v8 =	vld [tilespmem:s29+$0xFFFFFFF0]  }
0x41: {  	v9 =	vld [tilespmem:s29+$0x0]  }
0x42: {  	v10 =	vld [tilespmem:s30+$0x10]  }
0x43: {  	v5 =	vmul.f32 v5, v1;
	v6 =	vmul.f32 v6, v2  }
0x44: {  	v11 =	vld [tilespmem:s29+$0x10];
	v7 =	vmul.f32 v7, v3  }
0x45: {  	v4 =	vmul.f32 v4, v5;
	v5 =	vmul.f32 v8, v6;
	_ =	sdelay $0x1  }
0x46: {  	v6 =	vmul.f32 v10, v0;
	v4 =	vadd.f32 v5, v4;
	v5 =	vmul.f32 v9, v7;
	_ =	sdelay $0x1  }
0x47: {  	v4 =	vadd.f32 v5, v4;
	v5 =	vmul.f32 v11, v6;
	_ =	sdelay $0x1  }
0x48: {  	v4 =	vadd.f32 v5, v4;
	_ =	sdelay $0x1  }
0x49: {  	(xrf2) =	vadd.scan.msk.f32 $0xffff, v4;
	_ =	sdelay $0x5  }
0x4a: {  	v4 =	vmov s28;
	_ =	sdelay $0x3  }
0x4b: {  	v5, _, _ =	vpop (xrf2)  }
0x4c: {  	s28 =	simm.s32 $0x100;
	[tilespmem:v4+s22+$0x0] =	vst.idx.msk vm0, v5  }
0x4d: {  	[tilespmem:s18], [sflag:$0x1] =	stream.indirect.gather [hbm4b:s4+s28], $0x80, s28, s28, $0xb8;
	[tilespmem:$0x10A80] =	vst v63  }
0x4e: {  	_ = 	snop  }
0x4f: {  	[tilespmem:s19], [sflag:$0x2] =	stream.indirect.gather [hbm4b:s5+s28], $0x80, s23, s28, $0xb8;
	[tilespmem:$0x10A80] =	vst v63  }
0x50: {  	_ =	swait.ge [sflag:s20], $0x8000  }
0x51: {  	[sflag:s20] =	ssyncset.done $0x0  }
0x52: {  	[sflag:s20] =	ssyncadd.s32 $0xFFFF8000  }
0x53: {  	_ =	swait.ge [sflag:s21], $0x8000  }
0x54: {  	[sflag:s21] =	ssyncset.done $0x0  }
0x55: {  	s29 =	simm.s32 $0x8420;
	[sflag:s21] =	ssyncadd.s32 $0xFFFF8000  }
0x56: {  	s30 =	simm.s32 $0x420;
	v4 =	vld [tilespmem:s29+$0xFFFFFFE0]  }
0x57: {  	v5 =	vld [tilespmem:s30+$0xFFFFFFE0]  }
0x58: {  	s31 =	simm.s32 $0x101;
	v6 =	vld [tilespmem:s30+$0xFFFFFFF0]  }
.LBB2_4:
0x59: {  	p0 =	sne.s32 s31, $0x1FF;
	v7 =	vld [tilespmem:s30+$0x0]  }
0x5a: {  	v8 =	vld [tilespmem:s29+$0xFFFFFFF0]  }
0x5b: {  	v9 =	vld [tilespmem:s29+$0x0]  }
0x5c: {  	v10 =	vld [tilespmem:s30+$0x10]  }
0x5d: {  	v5 =	vmul.f32 v5, v1;
	v6 =	vmul.f32 v6, v2  }
0x5e: {  	v7 =	vmul.f32 v7, v3;
	v11 =	vld [tilespmem:s29+$0x10]  }
0x5f: {  	v4 =	vmul.f32 v4, v5;
	v5 =	vmul.f32 v8, v6;
	_ =	sdelay $0x1  }
0x60: {  	v4 =	vadd.f32 v5, v4;
	v5 =	vmul.f32 v9, v7;
	v6 =	vmul.f32 v10, v0;
	_ =	sdelay $0x1  }
0x61: {  	v4 =	vadd.f32 v5, v4;
	v5 =	vmul.f32 v11, v6;
	_ =	sdelay $0x1  }
0x62: {  	v4 =	vadd.f32 v5, v4;
	_ =	sdelay $0x1  }
0x63: {  	(xrf2) =	vadd.scan.msk.f32 $0xffff, v4;
	_ =	sdelay $0x5  }
0x64: {  	v4 =	vmov s28;
	s28 =	smov.u32 s31;
	_ =	sdelay $0x3  }
.Ltmp1:
0x65: {  	v5, _, _ =	vpop (xrf2);
	(pc) =	sbr.rel @p0 .LBB2_4-.Ltmp1, $4  }
0x66: {  	s29 =	sadd.s32 $0x80, s29;
	[tilespmem:v4+s22+$0x0] =	vst.idx.msk vm0, v5  }
0x67: {  	s30 =	sadd.s32 $0x80, s30;
	v4 =	vld [tilespmem:s29+$0xFFFFFFE0]  }
0x68: {  	v5 =	vld [tilespmem:s30+$0xFFFFFFE0]  }
0x69: {  	s31 =	sadd.s32 $0x1, s31;
	v6 =	vld [tilespmem:s30+$0xFFFFFFF0]  }
0x6a: {  	v7 =	vld [tilespmem:s30+$0x0]  }
0x6b: {  	v8 =	vld [tilespmem:s29+$0xFFFFFFF0]  }
0x6c: {  	v9 =	vld [tilespmem:s29+$0x0]  }
0x6d: {  	v10 =	vld [tilespmem:s30+$0x10]  }
0x6e: {  	v1 =	vmul.f32 v5, v1;
	v2 =	vmul.f32 v6, v2  }
0x6f: {  	v59 =	vld [tilespmem:s29+$0x10];
	v3 =	vmul.f32 v7, v3  }
0x70: {  	v1 =	vmul.f32 v4, v1;
	v2 =	vmul.f32 v8, v2;
	_ =	sdelay $0x1  }
0x71: {  	v0 =	vmul.f32 v10, v0;
	v60 =	vmul.f32 v9, v3;
	v1 =	vadd.f32 v2, v1;
	_ =	sdelay $0x1  }
0x72: {  	v0 =	vmul.f32 v59, v0;
	v1 =	vadd.f32 v60, v1;
	_ =	sdelay $0x1  }
0x73: {  	v0 =	vadd.f32 v0, v1;
	_ =	sdelay $0x1  }
0x74: {  	(xrf2) =	vadd.scan.msk.f32 $0xffff, v0;
	_ =	sdelay $0x5  }
0x75: {  	v61 =	vmov s28;
	_ =	sdelay $0x3  }
0x76: {  	v62, _, _ =	vpop (xrf2)  }
0x77: {  	[tilespmem:v61+s22+$0x0] =	vst.idx.msk vm0, v62  }
0x78: {  	_ =	swait.ge [sflag:s24], $0x200  }
0x79: {  	[sflag:s24] =	ssyncset.done $0x0  }
0x7a: {  	[sflag:s24] =	ssyncadd.s32 $0xFFFFFE00  }
0x7b: {  	_ =	swait.ge [sflag:s25], $0x200  }
0x7c: {  	[sflag:s25] =	ssyncset.done $0x0  }
0x7d: {  	[sflag:s25] =	ssyncadd.s32 $0xFFFFFE00  }
0x7e: {  	v0 =	vld [tilespmem:$0x10880]  }
0x7f: {  	v1 =	vld [tilespmem:$0x10480]  }
0x80: {  	v2 =	vld [tilespmem:$0x10680]  }
0x81: {  	v3 =	vld [tilespmem:$0x10890]  }
0x82: {  	v4 =	vld [tilespmem:$0x10490]  }
0x83: {  	v5 =	vld [tilespmem:$0x10690]  }
0x84: {  	v6 =	vld [tilespmem:$0x108A0]  }
0x85: {  	v7 =	vld [tilespmem:$0x104A0]  }
0x86: {  	v8 =	vld [tilespmem:$0x106A0]  }
0x87: {  	v9 =	vld [tilespmem:$0x108B0]  }
0x88: {  	v10 =	vld [tilespmem:$0x104B0]  }
0x89: {  	v11 =	vld [tilespmem:$0x106B0]  }
0x8a: {  	v12 =	vld [tilespmem:$0x108C0]  }
0x8b: {  	v13 =	vld [tilespmem:$0x104C0]  }
0x8c: {  	v14 =	vld [tilespmem:$0x106C0]  }
0x8d: {  	v15 =	vld [tilespmem:$0x108D0]  }
0x8e: {  	v16 =	vld [tilespmem:$0x104D0]  }
0x8f: {  	v17 =	vld [tilespmem:$0x106D0]  }
0x90: {  	v18 =	vld [tilespmem:$0x108E0]  }
0x91: {  	v19 =	vld [tilespmem:$0x104E0]  }
0x92: {  	v20 =	vld [tilespmem:$0x106E0]  }
0x93: {  	v21 =	vld [tilespmem:$0x108F0]  }
0x94: {  	v22 =	vld [tilespmem:$0x104F0]  }
0x95: {  	v23 =	vld [tilespmem:$0x106F0]  }
0x96: {  	v24 =	vld [tilespmem:$0x10900]  }
0x97: {  	v25 =	vld [tilespmem:$0x10500]  }
0x98: {  	v26 =	vld [tilespmem:$0x10700]  }
0x99: {  	v27 =	vld [tilespmem:$0x10910]  }
0x9a: {  	v28 =	vld [tilespmem:$0x10510]  }
0x9b: {  	v29 =	vld [tilespmem:$0x10710]  }
0x9c: {  	v30 =	vld [tilespmem:$0x10920]  }
0x9d: {  	v31 =	vld [tilespmem:$0x10520]  }
0x9e: {  	v32 =	vld [tilespmem:$0x10720]  }
0x9f: {  	v33 =	vld [tilespmem:$0x10930]  }
0xa0: {  	v34 =	vld [tilespmem:$0x10530]  }
0xa1: {  	v35 =	vld [tilespmem:$0x10730]  }
0xa2: {  	v36 =	vld [tilespmem:$0x10940]  }
0xa3: {  	v37 =	vld [tilespmem:$0x10540]  }
0xa4: {  	v38 =	vld [tilespmem:$0x10740]  }
0xa5: {  	v39 =	vld [tilespmem:$0x10950]  }
0xa6: {  	v40 =	vld [tilespmem:$0x10550]  }
0xa7: {  	v41 =	vld [tilespmem:$0x10750]  }
0xa8: {  	v42 =	vld [tilespmem:$0x10960]  }
0xa9: {  	v43 =	vld [tilespmem:$0x10560]  }
0xaa: {  	v44 =	vld [tilespmem:$0x10760]  }
0xab: {  	v45 =	vld [tilespmem:$0x10970]  }
0xac: {  	v46 =	vld [tilespmem:$0x10570]  }
0xad: {  	v47 =	vld [tilespmem:$0x10770]  }
0xae: {  	v48 =	vld [tilespmem:$0x10980]  }
0xaf: {  	v49 =	vld [tilespmem:$0x10580]  }
0xb0: {  	v53 =	vld [tilespmem:$0x10780]  }
0xb1: {  	v51 =	vld [tilespmem:$0x10990]  }
0xb2: {  	v52 =	vld [tilespmem:$0x10590]  }
0xb3: {  	v56 =	vld [tilespmem:$0x10790]  }
0xb4: {  	v54 =	vld [tilespmem:$0x109A0]  }
0xb5: {  	v55 =	vld [tilespmem:$0x105A0]  }
0xb6: {  	v62 =	vld [tilespmem:$0x107A0]  }
0xb7: {  	v57 =	vld [tilespmem:$0x109B0]  }
0xb8: {  	v58 =	vld [tilespmem:$0x105B0]  }
0xb9: {  	v63 =	vld [tilespmem:$0x107C0]  }
0xba: {  	v50 =	vld [tilespmem:$0x107B0]  }
0xbb: {  	v59 =	vld [tilespmem:$0x107D0]  }
0xbc: {  	v60 =	vld [tilespmem:$0x109C0]  }
0xbd: {  	v61 =	vld [tilespmem:$0x105C0]  }
0xbe: {  	[tilespmem:$0x1FFE0] =	vst v63;
	v63 =	vld [tilespmem:$0x109D0]  }
0xbf: {  	[tilespmem:$0x1FFD0] =	vst v50;
	v50 =	vld [tilespmem:$0x105D0]  }
0xc0: {  	[tilespmem:$0x1FFF0] =	vst v59;
	v59 =	vld [tilespmem:$0x109E0]  }
0xc1: {  	v0 =	vadd.f32 v1, v0;
	v1 =	vld [tilespmem:$0x105E0]  }
0xc2: {  	v3 =	vadd.f32 v4, v3;
	v4 =	vld [tilespmem:$0x107E0]  }
0xc3: {  	v54 =	vadd.f32 v55, v54;
	v55 =	vld [tilespmem:$0x10640]  }
0xc4: {  	v0 =	vadd.f32 v2, v0;
	v2 =	vadd.f32 v7, v6;
	v6 =	vld [tilespmem:$0x109F0]  }
0xc5: {  	v12 =	vadd.f32 v13, v12;
	v7 =	vld [tilespmem:$0x105F0]  }
0xc6: {  	v3 =	vadd.f32 v5, v3;
	v5 =	vadd.f32 v10, v9;
	v9 =	vld [tilespmem:$0x10A00]  }
0xc7: {  	v15 =	vadd.f32 v16, v15;
	v10 =	vld [tilespmem:$0x10600]  }
0xc8: {  	v18 =	vadd.f32 v19, v18;
	v16 =	vadd.f32 v14, v12;
	v12 =	vld [tilespmem:$0x10A10];
	[tilespmem:$0x10880] =	vst v0  }
0xc9: {  	v21 =	vadd.f32 v22, v21;
	v19 =	vadd.f32 v17, v15;
	v15 =	vld [tilespmem:$0x10A20];
	[tilespmem:$0x10890] =	vst v3  }
0xca: {  	v24 =	vadd.f32 v25, v24;
	v22 =	vadd.f32 v20, v18;
	v17 =	vld [tilespmem:$0x10820];
	[tilespmem:$0x108C0] =	vst v16  }
0xcb: {  	v27 =	vadd.f32 v28, v27;
	v25 =	vadd.f32 v23, v21;
	v18 =	vld [tilespmem:$0x10A30];
	[tilespmem:$0x108D0] =	vst v19  }
0xcc: {  	v30 =	vadd.f32 v31, v30;
	v28 =	vadd.f32 v26, v24;
	v20 =	vld [tilespmem:$0x10830];
	[tilespmem:$0x108E0] =	vst v22  }
0xcd: {  	v33 =	vadd.f32 v34, v33;
	v31 =	vadd.f32 v29, v27;
	v21 =	vld [tilespmem:$0x10A40];
	[tilespmem:$0x108F0] =	vst v25  }
0xce: {  	v36 =	vadd.f32 v37, v36;
	v34 =	vadd.f32 v32, v30;
	v30 =	vld [tilespmem:$0x10840];
	[tilespmem:$0x10900] =	vst v28  }
0xcf: {  	v39 =	vadd.f32 v40, v39;
	v37 =	vadd.f32 v35, v33;
	v33 =	vld [tilespmem:$0x10A50];
	[tilespmem:$0x10910] =	vst v31  }
0xd0: {  	v42 =	vadd.f32 v43, v42;
	v40 =	vadd.f32 v38, v36;
	v36 =	vld [tilespmem:$0x10650];
	[tilespmem:$0x10920] =	vst v34  }
0xd1: {  	v45 =	vadd.f32 v46, v45;
	v43 =	vadd.f32 v41, v39;
	v38 =	vld [tilespmem:$0x10850];
	[tilespmem:$0x10930] =	vst v37  }
0xd2: {  	v48 =	vadd.f32 v49, v48;
	v46 =	vadd.f32 v44, v42;
	v39 =	vld [tilespmem:$0x1FFF0];
	[tilespmem:$0x10940] =	vst v40  }
0xd3: {  	v49 =	vadd.f32 v47, v45;
	v41 =	vld [tilespmem:$0x10A60];
	[tilespmem:$0x10950] =	vst v43  }
0xd4: {  	v53 =	vadd.f32 v53, v48;
	v44 =	vld [tilespmem:$0x10660];
	[tilespmem:$0x10960] =	vst v46  }
0xd5: {  	v52 =	vadd.f32 v52, v51;
	v0 =	vadd.f32 v8, v2;
	[tilespmem:$0x10970] =	vst v49;
	v34 =	vld [tilespmem:$0x1FFD0]  }
0xd6: {  	v29 =	vadd.f32 v58, v57;
	v13 =	vadd.f32 v11, v5;
	[tilespmem:$0x10980] =	vst v53;
	v37 =	vld [tilespmem:$0x1FFE0]  }
0xd7: {  	v8 =	vld [tilespmem:$0x107F0];
	v28 =	vadd.f32 v56, v52;
	v1 =	vadd.f32 v1, v59;
	[tilespmem:$0x108A0] =	vst v0  }
0xd8: {  	v32 =	vadd.f32 v61, v60;
	v11 =	vld [tilespmem:$0x10800];
	v31 =	vadd.f32 v62, v54;
	[tilespmem:$0x108B0] =	vst v13  }
0xd9: {  	v47 =	vld [tilespmem:$0x10A70];
	v35 =	vadd.f32 v50, v63;
	[tilespmem:$0x10990] =	vst v28;
	v42 =	vadd.f32 v4, v1  }
0xda: {  	v16 =	vld [tilespmem:$0x10620];
	[tilespmem:$0x109A0] =	vst v31;
	v40 =	vadd.f32 v7, v6;
	v3 =	vadd.f32 v34, v29  }
0xdb: {  	v53 =	vld [tilespmem:$0x10860];
	v43 =	vadd.f32 v10, v9;
	v0 =	vadd.f32 v37, v32;
	[tilespmem:$0x109E0] =	vst v42  }
0xdc: {  	v19 =	vld [tilespmem:$0x10630];
	v55 =	vadd.f32 v55, v21;
	v45 =	vadd.f32 v8, v40;
	[tilespmem:$0x109B0] =	vst v3  }
0xdd: {  	v50 =	vld [tilespmem:$0x10670];
	v58 =	vadd.f32 v36, v33;
	v48 =	vadd.f32 v11, v43;
	[tilespmem:$0x109C0] =	vst v0  }
0xde: {  	v13 =	vld [tilespmem:$0x10610];
	v60 =	vadd.f32 v44, v41;
	v59 =	vadd.f32 v30, v55;
	[tilespmem:$0x109F0] =	vst v45  }
0xdf: {  	v56 =	vld [tilespmem:$0x10870];
	v2 =	vadd.f32 v38, v58;
	[tilespmem:$0x10A00] =	vst v48  }
0xe0: {  	v14 =	vld [tilespmem:$0x10810];
	v49 =	vadd.f32 v16, v15;
	v62 =	vadd.f32 v53, v60;
	[tilespmem:$0x10A40] =	vst v59  }
0xe1: {  	v52 =	vadd.f32 v19, v18;
	v3 =	vadd.f32 v39, v35;
	[tilespmem:$0x10A50] =	vst v2  }
0xe2: {  	v61 =	vadd.f32 v50, v47;
	v54 =	vadd.f32 v17, v49;
	[tilespmem:$0x10A60] =	vst v62  }
0xe3: {  	v46 =	vadd.f32 v13, v12;
	v57 =	vadd.f32 v20, v52;
	[tilespmem:$0x109D0] =	vst v3  }
0xe4: {  	v63 =	vadd.f32 v56, v61;
	[tilespmem:$0x10A20] =	vst v54  }
0xe5: {  	s26 =	sadd.s32 $0x1, s26;
	v51 =	vadd.f32 v14, v46;
	[tilespmem:$0x10A30] =	vst v57  }
0xe6: {  	p0 =	sne.s32 s26, s11;
	[tilespmem:$0x10A70] =	vst v63  }
.Ltmp2:
0xe7: {  	[tilespmem:$0x10A10] =	vst v51;
	(pc) =	sbr.rel @p0 .LBB2_1-.Ltmp2, $4  }
0xe8: {  	[hbm4b:s10+s2] =	stream.linear.scatter [tilespmem:s22], [sflag:$0x5], $0x200, $0x38;
	[tilespmem:$0x10A80] =	vst v63  }
0xe9: {  	_ =	swait.ge [sflag:s12], $0x200  }
0xea: {  	[sflag:s12] =	ssyncset.done $0x0  }
0xeb: {  	[sflag:s12] =	ssyncadd.s32 $0xFFFFFE00  }
0xec: {  	_ =	sfence.sel $0x180000  }
0xed: {  	[bflag:$0x0] =	sbarrier.arrive $0xFFFF  }
0xee: {  	p0 =	sne.s32 s3, $0x0;
	_ =	strace $0x90000047  }
0xef: {  	s0 =	sadd.s32 @!p0 $0x100000, s0;
	[bflag:$0x2] =	sbarrier.arrive $0xFFFF  }
0xf0: {  	[sflag:s0] =	ssyncadd.tile.s32 @!p0 $0x1;
	_ =	shalt  }
.Lfunc_end2:
_tile_overlayer_lowered:
.L_overlay_start_2:
0xf1: {  	(tag) =	ssettag $0x2  }
0xf2: {  	s0 =	rddreg [dreg:$0x0];
	s2 =	stileid.u32  }
0xf3: {  	s1 =	rddreg [dreg:$0x1];
	p0 =	sne.s32 s2, $0x0  }
0xf4: {  	s3 =	rddreg [dreg:$0x2];
	[bflag:$0x3] =	sbarrier.arrive $0xFFFF;
	s2 =	simm.s32 @!p0 $0x1C05  }
0xf5: {  	[timem:s3], [sflag:s2] =	dma.local @!p0 [hbm:s0], s1  }
0xf6: {  	s0 =	simm.s32 @!p0 $0x5  }
0xf7: {  	_ =	swait.ge @!p0 [sflag:s0], s1  }
0xf8: {  	s1 =	ssub.s32 @!p0 $0x0, s1;
	[sflag:s0] =	ssyncset.done @!p0 $0x0  }
0xf9: {  	[sflag:s0] =	ssyncadd.s32 @!p0 s1  }
0xfa: {  	[bflag:$0x3] =	sbarrier.arrive $0xFFFF  }
0xfb: {  	_ =	shalt  }

</sc_bundles>
